<compile_context>
chip_gen: v7x
topology: tpu7x:2x2x1
jax: 0.10.2.dev20260603
libtpu: 0.0.44.dev20260713+nightly
codegen_flags: <defaults>
</compile_context>

<pallas_src>
import functools

import jax
import jax.numpy as jnp
from jax import lax
from jax.experimental import pallas as pl
from jax.experimental.pallas import tpu as pltpu
from jax.experimental.pallas import tpu_sc as plsc

NC = 2
NS = 16
NW = NC * NS

IDXROW = 128
ROWS_PER_CHUNK = 256
NBUF = 4


@functools.lru_cache(maxsize=None)
def _build(vocab, emb, total):
    per_w = total // NW
    nrows = per_w // IDXROW
    chunks = per_w // ROWS_PER_CHUNK
    kpc = ROWS_PER_CHUNK // IDXROW
    n_outer = chunks // NBUF

    mesh = plsc.VectorSubcoreMesh(core_axis_name="c", subcore_axis_name="s")

    @functools.partial(
        pl.kernel,
        out_type=jax.ShapeDtypeStruct((total, emb), jnp.float32),
        mesh=mesh,
        scratch_types=[
            pltpu.VMEM((nrows, IDXROW), jnp.int32),
            pltpu.VMEM((NBUF, ROWS_PER_CHUNK, emb), jnp.float32),
            [pltpu.SemaphoreType.DMA] * NBUF,
            [pltpu.SemaphoreType.DMA] * NBUF,
        ],
        compiler_params=pltpu.CompilerParams(use_tc_tiling_on_sc=False),
    )
    def emb_kernel(table_hbm, idx_hbm, out_hbm, idx_v, rows_v, gsems, wsems):
        wid = lax.axis_index("s") * NC + lax.axis_index("c")
        base = wid * per_w

        pltpu.sync_copy(idx_hbm.at[wid], idx_v)

        def write_wait(b):
            pltpu.make_async_copy(
                rows_v.at[b],
                out_hbm.at[pl.ds(0, ROWS_PER_CHUNK)],
                wsems[b],
            ).wait()

        def outer(c0, carry):
            handles = []
            for b in range(NBUF):
                @pl.when(c0 > 0)
                def _(b=b):
                    write_wait(b)

                ch = c0 * NBUF + b
                hs = []
                for j in range(kpc):
                    hs.append(pltpu.async_copy(
                        table_hbm.at[idx_v.at[ch * kpc + j]],
                        rows_v.at[b, pl.ds(j * IDXROW, IDXROW)],
                        gsems[b],
                    ))
                handles.append(hs)
            for b in range(NBUF):
                for h in handles[b]:
                    h.wait()
                ch = c0 * NBUF + b
                pltpu.async_copy(
                    rows_v.at[b],
                    out_hbm.at[pl.ds(base + ch * ROWS_PER_CHUNK,
                                     ROWS_PER_CHUNK)],
                    wsems[b],
                )
            return carry

        lax.fori_loop(0, n_outer, outer, 0, unroll=False)
        for b in range(NBUF):
            write_wait(b)

    return emb_kernel


def kernel(x, TokenEmbeddings):
    b, l = x.shape
    vocab, emb = TokenEmbeddings.shape
    total = b * l
    idx = x.reshape(total).astype(jnp.int32)
    idx3 = idx.reshape(NW, total // NW // IDXROW, IDXROW)
    out = _build(vocab, emb, total)(TokenEmbeddings, idx3)
    return out.reshape(b, l, emb)

# --- scband reference (transcript-rebuilt; emitter-appended) ---
"""Pipeline reference for scband-token-embedding-68539088109726 (READ-ONLY COPY).

The authoritative reference and input builder live on the scoring server;
editing this copy changes nothing except your own understanding.
"""

import jax, jax.numpy as jnp
import numpy as np

VOCAB = 1000000
EMB = 64
B = 16384
L = 50

def setup_inputs(seed: int = 0) -> dict:
    key = jax.random.key(seed)
    k_idx, k_tab = jax.random.split(key)
    x = jax.random.randint(k_idx, (B, L), 0, VOCAB, dtype=jnp.int64 if jax.config.jax_enable_x64 else jnp.int32)
    table = jax.random.normal(k_tab, (VOCAB, EMB), dtype=jnp.float32) * 0.02
    return {"x": x, "TokenEmbeddings": table}

def reference(x, TokenEmbeddings):
    # Faithful translation of: return self.TokenEmbeddings[x, :]
    return jnp.take(TokenEmbeddings, x, axis=0)

if __name__ == "__main__":
    import jax
    _d = setup_inputs()
    print(jax.jit(kernel)(*tuple(_d.values())))

</pallas_src>

<mosaic_0001>
#map = affine_map<(d0, d1) -> (0, 0)>
#map1 = affine_map<(d0, d1) -> (0, 0, 0)>
module attributes {stable_mosaic.version = 14 : i64} {
  func.func @emb_kernel(%arg0: i32, %arg1: i32, %arg2: memref<1000000x64xf32, #tpu.memory_space<hbm>>, %arg3: memref<32x200x128xi32, #tpu.memory_space<hbm>>, %arg4: memref<819200x64xf32, #tpu.memory_space<hbm>>, %arg5: memref<200x128xi32, #tpu.memory_space<vmem>>, %arg6: memref<4x256x64xf32, #tpu.memory_space<vmem>>, %arg7: memref<!tpu.dma_semaphore, #tpu.memory_space<semaphore_mem>>, %arg8: memref<!tpu.dma_semaphore, #tpu.memory_space<semaphore_mem>>, %arg9: memref<!tpu.dma_semaphore, #tpu.memory_space<semaphore_mem>>, %arg10: memref<!tpu.dma_semaphore, #tpu.memory_space<semaphore_mem>>, %arg11: memref<!tpu.dma_semaphore, #tpu.memory_space<semaphore_mem>>, %arg12: memref<!tpu.dma_semaphore, #tpu.memory_space<semaphore_mem>>, %arg13: memref<!tpu.dma_semaphore, #tpu.memory_space<semaphore_mem>>, %arg14: memref<!tpu.dma_semaphore, #tpu.memory_space<semaphore_mem>>) attributes {dimension_semantics = [#tpu.dimension_semantics<core_parallel>, #tpu.dimension_semantics<subcore_parallel>], iteration_bounds = array<i64: 2, 16>, scalar_prefetch = 0 : i64, scratch_operands = 10 : i64, tpu.core_type = #tpu.core_type<sc_vector_subcore>, window_params = [{transform_indices = #map}, {transform_indices = #map1}, {transform_indices = #map}]} {
    %mul3A = arith.constant 2 : i32
    %mul3A_0 = arith.muli %arg1, %mul3A : i32
    %add3A = arith.addi %mul3A_0, %arg0 : i32
    %mul3A_1 = arith.constant 25600 : i32
    %mul3A_2 = arith.muli %add3A, %mul3A_1 : i32
    "tpu.region"() ({
      %run_scoped3A = tpu.sem_alloc : memref<!tpu.dma_semaphore, #tpu.memory_space<semaphore_mem>>
      %dma_start3A = arith.constant 0 : i32
      %dma_start3A_67 = arith.constant 0 : i32
      %dma_start3A_68 = tpu.memref_slice %arg3[%add3A, %dma_start3A, %dma_start3A_67] : memref<32x200x128xi32, #tpu.memory_space<hbm>> -> memref<1x200x128xi32, #tpu.memory_space<hbm>>
      %dma_start3A_69 = tpu.memref_squeeze %dma_start3A_68 : memref<1x200x128xi32, #tpu.memory_space<hbm>> -> memref<200x128xi32, #tpu.memory_space<hbm>>
      %dma_start3A_70 = arith.constant 0 : i32
      %dma_start3A_71 = arith.constant 0 : i32
      %dma_start3A_72 = tpu.memref_slice %arg3[%add3A, %dma_start3A_70, %dma_start3A_71] : memref<32x200x128xi32, #tpu.memory_space<hbm>> -> memref<1x200x128xi32, #tpu.memory_space<hbm>>
      %dma_start3A_73 = tpu.memref_squeeze %dma_start3A_72 : memref<1x200x128xi32, #tpu.memory_space<hbm>> -> memref<200x128xi32, #tpu.memory_space<hbm>>
      tpu.enqueue_dma source(%dma_start3A_73 : memref<200x128xi32, #tpu.memory_space<hbm>>) target(%arg5 : memref<200x128xi32, #tpu.memory_space<vmem>>) target_semaphore(%run_scoped3A : memref<!tpu.dma_semaphore, #tpu.memory_space<semaphore_mem>>)
      %dma_wait3A_74 = arith.constant 0 : i32
      %dma_wait3A_75 = arith.constant 0 : i32
      %dma_wait3A_76 = tpu.memref_slice %arg3[%add3A, %dma_wait3A_74, %dma_wait3A_75] : memref<32x200x128xi32, #tpu.memory_space<hbm>> -> memref<1x200x128xi32, #tpu.memory_space<hbm>>
      %dma_wait3A_77 = tpu.memref_squeeze %dma_wait3A_76 : memref<1x200x128xi32, #tpu.memory_space<hbm>> -> memref<200x128xi32, #tpu.memory_space<hbm>>
      %dma_wait3A_78 = arith.constant 0 : i32
      %dma_wait3A_79 = arith.constant 0 : i32
      %dma_wait3A_80 = tpu.memref_slice %arg3[%add3A, %dma_wait3A_78, %dma_wait3A_79] : memref<32x200x128xi32, #tpu.memory_space<hbm>> -> memref<1x200x128xi32, #tpu.memory_space<hbm>>
      %dma_wait3A_81 = tpu.memref_squeeze %dma_wait3A_80 : memref<1x200x128xi32, #tpu.memory_space<hbm>> -> memref<200x128xi32, #tpu.memory_space<hbm>>
      tpu.wait_dma2 semaphore(%run_scoped3A : memref<!tpu.dma_semaphore, #tpu.memory_space<semaphore_mem>>) src(%dma_wait3A_81 : memref<200x128xi32, #tpu.memory_space<hbm>>) dst(%arg5 : memref<200x128xi32, #tpu.memory_space<vmem>>)
      tpu.yield
    }) : () -> ()
    %scan3A = arith.constant 0 : i32
    %scan3A_3 = arith.constant 0 : i32
    %scan3A_4 = arith.constant 25 : i32
    %scan3A_5 = arith.addi %scan3A_3, %scan3A_4 : i32
    %scan3A_6 = arith.constant 1 : i32
    scf.for %scan3A_67 = %scan3A_3 to %scan3A_5 step %scan3A_6  : i32 {
      %gt3A = arith.constant 0 : i32
      %gt3A_68 = arith.cmpi sgt, %scan3A_67, %gt3A : i32
      %convert_element_type3A = arith.extui %gt3A_68 : i1 to i32
      %cond3A = arith.constant 0 : i32
      %cond3A_69 = arith.cmpi ne, %convert_element_type3A, %cond3A : i32
      scf.if %cond3A_69 {
        %dma_wait3A_388 = arith.constant 0 : i32
        %dma_wait3A_389 = arith.constant 0 : i32
        %dma_wait3A_390 = arith.constant 0 : i32
        %dma_wait3A_391 = tpu.memref_slice %arg6[%dma_wait3A_388, %dma_wait3A_389, %dma_wait3A_390] : memref<4x256x64xf32, #tpu.memory_space<vmem>> -> memref<1x256x64xf32, #tpu.memory_space<vmem>>
        %dma_wait3A_392 = tpu.memref_squeeze %dma_wait3A_391 : memref<1x256x64xf32, #tpu.memory_space<vmem>> -> memref<256x64xf32, #tpu.memory_space<vmem>>
        %dma_wait3A_393 = arith.constant 0 : i32
        %dma_wait3A_394 = arith.constant 0 : i32
        %dma_wait3A_395 = tpu.memref_slice %arg4[%dma_wait3A_393, %dma_wait3A_394] : memref<819200x64xf32, #tpu.memory_space<hbm>> -> memref<256x64xf32, #tpu.memory_space<hbm>>
        %dma_wait3A_396 = arith.constant 0 : i32
        %dma_wait3A_397 = arith.constant 0 : i32
        %dma_wait3A_398 = tpu.memref_slice %arg4[%dma_wait3A_396, %dma_wait3A_397] : memref<819200x64xf32, #tpu.memory_space<hbm>> -> memref<256x64xf32, #tpu.memory_space<hbm>>
        %dma_wait3A_399 = arith.constant 0 : i32
        %dma_wait3A_400 = arith.constant 0 : i32
        %dma_wait3A_401 = tpu.memref_slice %arg6[%dma_wait3A_388, %dma_wait3A_399, %dma_wait3A_400] : memref<4x256x64xf32, #tpu.memory_space<vmem>> -> memref<1x256x64xf32, #tpu.memory_space<vmem>>
        %dma_wait3A_402 = tpu.memref_squeeze %dma_wait3A_401 : memref<1x256x64xf32, #tpu.memory_space<vmem>> -> memref<256x64xf32, #tpu.memory_space<vmem>>
        tpu.wait_dma2 semaphore(%arg11 : memref<!tpu.dma_semaphore, #tpu.memory_space<semaphore_mem>>) src(%dma_wait3A_402 : memref<256x64xf32, #tpu.memory_space<vmem>>) dst(%dma_wait3A_398 : memref<256x64xf32, #tpu.memory_space<hbm>>)
      } else {
      }
      %mul3A_70 = arith.constant 4 : i32
      %mul3A_71 = arith.muli %scan3A_67, %mul3A_70 : i32
      %add3A_72 = arith.constant 0 : i32
      %add3A_73 = arith.addi %mul3A_71, %add3A_72 : i32
      %mul3A_74 = arith.constant 2 : i32
      %mul3A_75 = arith.muli %add3A_73, %mul3A_74 : i32
      %add3A_76 = arith.constant 0 : i32
      %add3A_77 = arith.addi %mul3A_75, %add3A_76 : i32
      %dma_start3A = arith.constant 0 : i32
      %dma_start3A_78 = arith.constant 0 : i32
      %dma_start3A_79 = arith.constant 0 : i32
      %dma_start3A_80 = tpu.memref_slice %arg6[%dma_start3A, %dma_start3A_78, %dma_start3A_79] : memref<4x256x64xf32, #tpu.memory_space<vmem>> -> memref<1x128x64xf32, #tpu.memory_space<vmem>>
      %dma_start3A_81 = tpu.memref_squeeze %dma_start3A_80 : memref<1x128x64xf32, #tpu.memory_space<vmem>> -> memref<128x64xf32, #tpu.memory_space<vmem>>
      %dma_start3A_82 = arith.constant 0 : i32
      %dma_start3A_83 = tpu.memref_slice %arg5[%add3A_77, %dma_start3A_82] : memref<200x128xi32, #tpu.memory_space<vmem>> -> memref<1x128xi32, #tpu.memory_space<vmem>>
      %dma_start3A_84 = tpu.memref_squeeze %dma_start3A_83 : memref<1x128xi32, #tpu.memory_space<vmem>> -> memref<128xi32, #tpu.memory_space<vmem>>
      %dma_start3A_85 = arith.constant 0 : i32
      %dma_start3A_86 = arith.constant 0 : i32
      %dma_start3A_87 = tpu.memref_slice %arg2[%dma_start3A_85, %dma_start3A_86] : memref<1000000x64xf32, #tpu.memory_space<hbm>> -> memref<1000000x64xf32, #tpu.memory_space<hbm>>
      tpu.enqueue_indirect_dma source(%dma_start3A_87 : memref<1000000x64xf32, #tpu.memory_space<hbm>>) target(%dma_start3A_81 : memref<128x64xf32, #tpu.memory_space<vmem>>) offsets(%dma_start3A_84 : memref<128xi32, #tpu.memory_space<vmem>>) semaphore(%arg7 : memref<!tpu.dma_semaphore, #tpu.memory_space<semaphore_mem>>)
      %mul3A_88 = arith.constant 2 : i32
      %mul3A_89 = arith.muli %add3A_73, %mul3A_88 : i32
      %add3A_90 = arith.constant 1 : i32
      %add3A_91 = arith.addi %mul3A_89, %add3A_90 : i32
      %dma_start3A_92 = arith.constant 0 : i32
      %dma_start3A_93 = arith.constant 128 : i32
      %dma_start3A_94 = arith.constant 0 : i32
      %dma_start3A_95 = tpu.memref_slice %arg6[%dma_start3A_92, %dma_start3A_93, %dma_start3A_94] : memref<4x256x64xf32, #tpu.memory_space<vmem>> -> memref<1x128x64xf32, #tpu.memory_space<vmem>>
      %dma_start3A_96 = tpu.memref_squeeze %dma_start3A_95 : memref<1x128x64xf32, #tpu.memory_space<vmem>> -> memref<128x64xf32, #tpu.memory_space<vmem>>
      %dma_start3A_97 = arith.constant 0 : i32
      %dma_start3A_98 = tpu.memref_slice %arg5[%add3A_91, %dma_start3A_97] : memref<200x128xi32, #tpu.memory_space<vmem>> -> memref<1x128xi32, #tpu.memory_space<vmem>>
      %dma_start3A_99 = tpu.memref_squeeze %dma_start3A_98 : memref<1x128xi32, #tpu.memory_space<vmem>> -> memref<128xi32, #tpu.memory_space<vmem>>
      %dma_start3A_100 = arith.constant 0 : i32
      %dma_start3A_101 = arith.constant 0 : i32
      %dma_start3A_102 = tpu.memref_slice %arg2[%dma_start3A_100, %dma_start3A_101] : memref<1000000x64xf32, #tpu.memory_space<hbm>> -> memref<1000000x64xf32, #tpu.memory_space<hbm>>
      tpu.enqueue_indirect_dma source(%dma_start3A_102 : memref<1000000x64xf32, #tpu.memory_space<hbm>>) target(%dma_start3A_96 : memref<128x64xf32, #tpu.memory_space<vmem>>) offsets(%dma_start3A_99 : memref<128xi32, #tpu.memory_space<vmem>>) semaphore(%arg7 : memref<!tpu.dma_semaphore, #tpu.memory_space<semaphore_mem>>)
      %gt3A_103 = arith.constant 0 : i32
      %gt3A_104 = arith.cmpi sgt, %scan3A_67, %gt3A_103 : i32
      %convert_element_type3A_105 = arith.extui %gt3A_104 : i1 to i32
      %cond3A_106 = arith.constant 0 : i32
      %cond3A_107 = arith.cmpi ne, %convert_element_type3A_105, %cond3A_106 : i32
      scf.if %cond3A_107 {
        %dma_wait3A_388 = arith.constant 1 : i32
        %dma_wait3A_389 = arith.constant 0 : i32
        %dma_wait3A_390 = arith.constant 0 : i32
        %dma_wait3A_391 = tpu.memref_slice %arg6[%dma_wait3A_388, %dma_wait3A_389, %dma_wait3A_390] : memref<4x256x64xf32, #tpu.memory_space<vmem>> -> memref<1x256x64xf32, #tpu.memory_space<vmem>>
        %dma_wait3A_392 = tpu.memref_squeeze %dma_wait3A_391 : memref<1x256x64xf32, #tpu.memory_space<vmem>> -> memref<256x64xf32, #tpu.memory_space<vmem>>
        %dma_wait3A_393 = arith.constant 0 : i32
        %dma_wait3A_394 = arith.constant 0 : i32
        %dma_wait3A_395 = tpu.memref_slice %arg4[%dma_wait3A_393, %dma_wait3A_394] : memref<819200x64xf32, #tpu.memory_space<hbm>> -> memref<256x64xf32, #tpu.memory_space<hbm>>
        %dma_wait3A_396 = arith.constant 0 : i32
        %dma_wait3A_397 = arith.constant 0 : i32
        %dma_wait3A_398 = tpu.memref_slice %arg4[%dma_wait3A_396, %dma_wait3A_397] : memref<819200x64xf32, #tpu.memory_space<hbm>> -> memref<256x64xf32, #tpu.memory_space<hbm>>
        %dma_wait3A_399 = arith.constant 0 : i32
        %dma_wait3A_400 = arith.constant 0 : i32
        %dma_wait3A_401 = tpu.memref_slice %arg6[%dma_wait3A_388, %dma_wait3A_399, %dma_wait3A_400] : memref<4x256x64xf32, #tpu.memory_space<vmem>> -> memref<1x256x64xf32, #tpu.memory_space<vmem>>
        %dma_wait3A_402 = tpu.memref_squeeze %dma_wait3A_401 : memref<1x256x64xf32, #tpu.memory_space<vmem>> -> memref<256x64xf32, #tpu.memory_space<vmem>>
        tpu.wait_dma2 semaphore(%arg12 : memref<!tpu.dma_semaphore, #tpu.memory_space<semaphore_mem>>) src(%dma_wait3A_402 : memref<256x64xf32, #tpu.memory_space<vmem>>) dst(%dma_wait3A_398 : memref<256x64xf32, #tpu.memory_space<hbm>>)
      } else {
      }
      %mul3A_108 = arith.constant 4 : i32
      %mul3A_109 = arith.muli %scan3A_67, %mul3A_108 : i32
      %add3A_110 = arith.constant 1 : i32
      %add3A_111 = arith.addi %mul3A_109, %add3A_110 : i32
      %mul3A_112 = arith.constant 2 : i32
      %mul3A_113 = arith.muli %add3A_111, %mul3A_112 : i32
      %add3A_114 = arith.constant 0 : i32
      %add3A_115 = arith.addi %mul3A_113, %add3A_114 : i32
      %dma_start3A_116 = arith.constant 1 : i32
      %dma_start3A_117 = arith.constant 0 : i32
      %dma_start3A_118 = arith.constant 0 : i32
      %dma_start3A_119 = tpu.memref_slice %arg6[%dma_start3A_116, %dma_start3A_117, %dma_start3A_118] : memref<4x256x64xf32, #tpu.memory_space<vmem>> -> memref<1x128x64xf32, #tpu.memory_space<vmem>>
      %dma_start3A_120 = tpu.memref_squeeze %dma_start3A_119 : memref<1x128x64xf32, #tpu.memory_space<vmem>> -> memref<128x64xf32, #tpu.memory_space<vmem>>
      %dma_start3A_121 = arith.constant 0 : i32
      %dma_start3A_122 = tpu.memref_slice %arg5[%add3A_115, %dma_start3A_121] : memref<200x128xi32, #tpu.memory_space<vmem>> -> memref<1x128xi32, #tpu.memory_space<vmem>>
      %dma_start3A_123 = tpu.memref_squeeze %dma_start3A_122 : memref<1x128xi32, #tpu.memory_space<vmem>> -> memref<128xi32, #tpu.memory_space<vmem>>
      %dma_start3A_124 = arith.constant 0 : i32
      %dma_start3A_125 = arith.constant 0 : i32
      %dma_start3A_126 = tpu.memref_slice %arg2[%dma_start3A_124, %dma_start3A_125] : memref<1000000x64xf32, #tpu.memory_space<hbm>> -> memref<1000000x64xf32, #tpu.memory_space<hbm>>
      tpu.enqueue_indirect_dma source(%dma_start3A_126 : memref<1000000x64xf32, #tpu.memory_space<hbm>>) target(%dma_start3A_120 : memref<128x64xf32, #tpu.memory_space<vmem>>) offsets(%dma_start3A_123 : memref<128xi32, #tpu.memory_space<vmem>>) semaphore(%arg8 : memref<!tpu.dma_semaphore, #tpu.memory_space<semaphore_mem>>)
      %mul3A_127 = arith.constant 2 : i32
      %mul3A_128 = arith.muli %add3A_111, %mul3A_127 : i32
      %add3A_129 = arith.constant 1 : i32
      %add3A_130 = arith.addi %mul3A_128, %add3A_129 : i32
      %dma_start3A_131 = arith.constant 1 : i32
      %dma_start3A_132 = arith.constant 128 : i32
      %dma_start3A_133 = arith.constant 0 : i32
      %dma_start3A_134 = tpu.memref_slice %arg6[%dma_start3A_131, %dma_start3A_132, %dma_start3A_133] : memref<4x256x64xf32, #tpu.memory_space<vmem>> -> memref<1x128x64xf32, #tpu.memory_space<vmem>>
      %dma_start3A_135 = tpu.memref_squeeze %dma_start3A_134 : memref<1x128x64xf32, #tpu.memory_space<vmem>> -> memref<128x64xf32, #tpu.memory_space<vmem>>
      %dma_start3A_136 = arith.constant 0 : i32
      %dma_start3A_137 = tpu.memref_slice %arg5[%add3A_130, %dma_start3A_136] : memref<200x128xi32, #tpu.memory_space<vmem>> -> memref<1x128xi32, #tpu.memory_space<vmem>>
      %dma_start3A_138 = tpu.memref_squeeze %dma_start3A_137 : memref<1x128xi32, #tpu.memory_space<vmem>> -> memref<128xi32, #tpu.memory_space<vmem>>
      %dma_start3A_139 = arith.constant 0 : i32
      %dma_start3A_140 = arith.constant 0 : i32
      %dma_start3A_141 = tpu.memref_slice %arg2[%dma_start3A_139, %dma_start3A_140] : memref<1000000x64xf32, #tpu.memory_space<hbm>> -> memref<1000000x64xf32, #tpu.memory_space<hbm>>
      tpu.enqueue_indirect_dma source(%dma_start3A_141 : memref<1000000x64xf32, #tpu.memory_space<hbm>>) target(%dma_start3A_135 : memref<128x64xf32, #tpu.memory_space<vmem>>) offsets(%dma_start3A_138 : memref<128xi32, #tpu.memory_space<vmem>>) semaphore(%arg8 : memref<!tpu.dma_semaphore, #tpu.memory_space<semaphore_mem>>)
      %gt3A_142 = arith.constant 0 : i32
      %gt3A_143 = arith.cmpi sgt, %scan3A_67, %gt3A_142 : i32
      %convert_element_type3A_144 = arith.extui %gt3A_143 : i1 to i32
      %cond3A_145 = arith.constant 0 : i32
      %cond3A_146 = arith.cmpi ne, %convert_element_type3A_144, %cond3A_145 : i32
      scf.if %cond3A_146 {
        %dma_wait3A_388 = arith.constant 2 : i32
        %dma_wait3A_389 = arith.constant 0 : i32
        %dma_wait3A_390 = arith.constant 0 : i32
        %dma_wait3A_391 = tpu.memref_slice %arg6[%dma_wait3A_388, %dma_wait3A_389, %dma_wait3A_390] : memref<4x256x64xf32, #tpu.memory_space<vmem>> -> memref<1x256x64xf32, #tpu.memory_space<vmem>>
        %dma_wait3A_392 = tpu.memref_squeeze %dma_wait3A_391 : memref<1x256x64xf32, #tpu.memory_space<vmem>> -> memref<256x64xf32, #tpu.memory_space<vmem>>
        %dma_wait3A_393 = arith.constant 0 : i32
        %dma_wait3A_394 = arith.constant 0 : i32
        %dma_wait3A_395 = tpu.memref_slice %arg4[%dma_wait3A_393, %dma_wait3A_394] : memref<819200x64xf32, #tpu.memory_space<hbm>> -> memref<256x64xf32, #tpu.memory_space<hbm>>
        %dma_wait3A_396 = arith.constant 0 : i32
        %dma_wait3A_397 = arith.constant 0 : i32
        %dma_wait3A_398 = tpu.memref_slice %arg4[%dma_wait3A_396, %dma_wait3A_397] : memref<819200x64xf32, #tpu.memory_space<hbm>> -> memref<256x64xf32, #tpu.memory_space<hbm>>
        %dma_wait3A_399 = arith.constant 0 : i32
        %dma_wait3A_400 = arith.constant 0 : i32
        %dma_wait3A_401 = tpu.memref_slice %arg6[%dma_wait3A_388, %dma_wait3A_399, %dma_wait3A_400] : memref<4x256x64xf32, #tpu.memory_space<vmem>> -> memref<1x256x64xf32, #tpu.memory_space<vmem>>
        %dma_wait3A_402 = tpu.memref_squeeze %dma_wait3A_401 : memref<1x256x64xf32, #tpu.memory_space<vmem>> -> memref<256x64xf32, #tpu.memory_space<vmem>>
        tpu.wait_dma2 semaphore(%arg13 : memref<!tpu.dma_semaphore, #tpu.memory_space<semaphore_mem>>) src(%dma_wait3A_402 : memref<256x64xf32, #tpu.memory_space<vmem>>) dst(%dma_wait3A_398 : memref<256x64xf32, #tpu.memory_space<hbm>>)
      } else {
      }
      %mul3A_147 = arith.constant 4 : i32
      %mul3A_148 = arith.muli %scan3A_67, %mul3A_147 : i32
      %add3A_149 = arith.constant 2 : i32
      %add3A_150 = arith.addi %mul3A_148, %add3A_149 : i32
      %mul3A_151 = arith.constant 2 : i32
      %mul3A_152 = arith.muli %add3A_150, %mul3A_151 : i32
      %add3A_153 = arith.constant 0 : i32
      %add3A_154 = arith.addi %mul3A_152, %add3A_153 : i32
      %dma_start3A_155 = arith.constant 2 : i32
      %dma_start3A_156 = arith.constant 0 : i32
      %dma_start3A_157 = arith.constant 0 : i32
      %dma_start3A_158 = tpu.memref_slice %arg6[%dma_start3A_155, %dma_start3A_156, %dma_start3A_157] : memref<4x256x64xf32, #tpu.memory_space<vmem>> -> memref<1x128x64xf32, #tpu.memory_space<vmem>>
      %dma_start3A_159 = tpu.memref_squeeze %dma_start3A_158 : memref<1x128x64xf32, #tpu.memory_space<vmem>> -> memref<128x64xf32, #tpu.memory_space<vmem>>
      %dma_start3A_160 = arith.constant 0 : i32
      %dma_start3A_161 = tpu.memref_slice %arg5[%add3A_154, %dma_start3A_160] : memref<200x128xi32, #tpu.memory_space<vmem>> -> memref<1x128xi32, #tpu.memory_space<vmem>>
      %dma_start3A_162 = tpu.memref_squeeze %dma_start3A_161 : memref<1x128xi32, #tpu.memory_space<vmem>> -> memref<128xi32, #tpu.memory_space<vmem>>
      %dma_start3A_163 = arith.constant 0 : i32
      %dma_start3A_164 = arith.constant 0 : i32
      %dma_start3A_165 = tpu.memref_slice %arg2[%dma_start3A_163, %dma_start3A_164] : memref<1000000x64xf32, #tpu.memory_space<hbm>> -> memref<1000000x64xf32, #tpu.memory_space<hbm>>
      tpu.enqueue_indirect_dma source(%dma_start3A_165 : memref<1000000x64xf32, #tpu.memory_space<hbm>>) target(%dma_start3A_159 : memref<128x64xf32, #tpu.memory_space<vmem>>) offsets(%dma_start3A_162 : memref<128xi32, #tpu.memory_space<vmem>>) semaphore(%arg9 : memref<!tpu.dma_semaphore, #tpu.memory_space<semaphore_mem>>)
      %mul3A_166 = arith.constant 2 : i32
      %mul3A_167 = arith.muli %add3A_150, %mul3A_166 : i32
      %add3A_168 = arith.constant 1 : i32
      %add3A_169 = arith.addi %mul3A_167, %add3A_168 : i32
      %dma_start3A_170 = arith.constant 2 : i32
      %dma_start3A_171 = arith.constant 128 : i32
      %dma_start3A_172 = arith.constant 0 : i32
      %dma_start3A_173 = tpu.memref_slice %arg6[%dma_start3A_170, %dma_start3A_171, %dma_start3A_172] : memref<4x256x64xf32, #tpu.memory_space<vmem>> -> memref<1x128x64xf32, #tpu.memory_space<vmem>>
      %dma_start3A_174 = tpu.memref_squeeze %dma_start3A_173 : memref<1x128x64xf32, #tpu.memory_space<vmem>> -> memref<128x64xf32, #tpu.memory_space<vmem>>
      %dma_start3A_175 = arith.constant 0 : i32
      %dma_start3A_176 = tpu.memref_slice %arg5[%add3A_169, %dma_start3A_175] : memref<200x128xi32, #tpu.memory_space<vmem>> -> memref<1x128xi32, #tpu.memory_space<vmem>>
      %dma_start3A_177 = tpu.memref_squeeze %dma_start3A_176 : memref<1x128xi32, #tpu.memory_space<vmem>> -> memref<128xi32, #tpu.memory_space<vmem>>
      %dma_start3A_178 = arith.constant 0 : i32
      %dma_start3A_179 = arith.constant 0 : i32
      %dma_start3A_180 = tpu.memref_slice %arg2[%dma_start3A_178, %dma_start3A_179] : memref<1000000x64xf32, #tpu.memory_space<hbm>> -> memref<1000000x64xf32, #tpu.memory_space<hbm>>
      tpu.enqueue_indirect_dma source(%dma_start3A_180 : memref<1000000x64xf32, #tpu.memory_space<hbm>>) target(%dma_start3A_174 : memref<128x64xf32, #tpu.memory_space<vmem>>) offsets(%dma_start3A_177 : memref<128xi32, #tpu.memory_space<vmem>>) semaphore(%arg9 : memref<!tpu.dma_semaphore, #tpu.memory_space<semaphore_mem>>)
      %gt3A_181 = arith.constant 0 : i32
      %gt3A_182 = arith.cmpi sgt, %scan3A_67, %gt3A_181 : i32
      %convert_element_type3A_183 = arith.extui %gt3A_182 : i1 to i32
      %cond3A_184 = arith.constant 0 : i32
      %cond3A_185 = arith.cmpi ne, %convert_element_type3A_183, %cond3A_184 : i32
      scf.if %cond3A_185 {
        %dma_wait3A_388 = arith.constant 3 : i32
        %dma_wait3A_389 = arith.constant 0 : i32
        %dma_wait3A_390 = arith.constant 0 : i32
        %dma_wait3A_391 = tpu.memref_slice %arg6[%dma_wait3A_388, %dma_wait3A_389, %dma_wait3A_390] : memref<4x256x64xf32, #tpu.memory_space<vmem>> -> memref<1x256x64xf32, #tpu.memory_space<vmem>>
        %dma_wait3A_392 = tpu.memref_squeeze %dma_wait3A_391 : memref<1x256x64xf32, #tpu.memory_space<vmem>> -> memref<256x64xf32, #tpu.memory_space<vmem>>
        %dma_wait3A_393 = arith.constant 0 : i32
        %dma_wait3A_394 = arith.constant 0 : i32
        %dma_wait3A_395 = tpu.memref_slice %arg4[%dma_wait3A_393, %dma_wait3A_394] : memref<819200x64xf32, #tpu.memory_space<hbm>> -> memref<256x64xf32, #tpu.memory_space<hbm>>
        %dma_wait3A_396 = arith.constant 0 : i32
        %dma_wait3A_397 = arith.constant 0 : i32
        %dma_wait3A_398 = tpu.memref_slice %arg4[%dma_wait3A_396, %dma_wait3A_397] : memref<819200x64xf32, #tpu.memory_space<hbm>> -> memref<256x64xf32, #tpu.memory_space<hbm>>
        %dma_wait3A_399 = arith.constant 0 : i32
        %dma_wait3A_400 = arith.constant 0 : i32
        %dma_wait3A_401 = tpu.memref_slice %arg6[%dma_wait3A_388, %dma_wait3A_399, %dma_wait3A_400] : memref<4x256x64xf32, #tpu.memory_space<vmem>> -> memref<1x256x64xf32, #tpu.memory_space<vmem>>
        %dma_wait3A_402 = tpu.memref_squeeze %dma_wait3A_401 : memref<1x256x64xf32, #tpu.memory_space<vmem>> -> memref<256x64xf32, #tpu.memory_space<vmem>>
        tpu.wait_dma2 semaphore(%arg14 : memref<!tpu.dma_semaphore, #tpu.memory_space<semaphore_mem>>) src(%dma_wait3A_402 : memref<256x64xf32, #tpu.memory_space<vmem>>) dst(%dma_wait3A_398 : memref<256x64xf32, #tpu.memory_space<hbm>>)
      } else {
      }
      %mul3A_186 = arith.constant 4 : i32
      %mul3A_187 = arith.muli %scan3A_67, %mul3A_186 : i32
      %add3A_188 = arith.constant 3 : i32
      %add3A_189 = arith.addi %mul3A_187, %add3A_188 : i32
      %mul3A_190 = arith.constant 2 : i32
      %mul3A_191 = arith.muli %add3A_189, %mul3A_190 : i32
      %add3A_192 = arith.constant 0 : i32
      %add3A_193 = arith.addi %mul3A_191, %add3A_192 : i32
      %dma_start3A_194 = arith.constant 3 : i32
      %dma_start3A_195 = arith.constant 0 : i32
      %dma_start3A_196 = arith.constant 0 : i32
      %dma_start3A_197 = tpu.memref_slice %arg6[%dma_start3A_194, %dma_start3A_195, %dma_start3A_196] : memref<4x256x64xf32, #tpu.memory_space<vmem>> -> memref<1x128x64xf32, #tpu.memory_space<vmem>>
      %dma_start3A_198 = tpu.memref_squeeze %dma_start3A_197 : memref<1x128x64xf32, #tpu.memory_space<vmem>> -> memref<128x64xf32, #tpu.memory_space<vmem>>
      %dma_start3A_199 = arith.constant 0 : i32
      %dma_start3A_200 = tpu.memref_slice %arg5[%add3A_193, %dma_start3A_199] : memref<200x128xi32, #tpu.memory_space<vmem>> -> memref<1x128xi32, #tpu.memory_space<vmem>>
      %dma_start3A_201 = tpu.memref_squeeze %dma_start3A_200 : memref<1x128xi32, #tpu.memory_space<vmem>> -> memref<128xi32, #tpu.memory_space<vmem>>
      %dma_start3A_202 = arith.constant 0 : i32
      %dma_start3A_203 = arith.constant 0 : i32
      %dma_start3A_204 = tpu.memref_slice %arg2[%dma_start3A_202, %dma_start3A_203] : memref<1000000x64xf32, #tpu.memory_space<hbm>> -> memref<1000000x64xf32, #tpu.memory_space<hbm>>
      tpu.enqueue_indirect_dma source(%dma_start3A_204 : memref<1000000x64xf32, #tpu.memory_space<hbm>>) target(%dma_start3A_198 : memref<128x64xf32, #tpu.memory_space<vmem>>) offsets(%dma_start3A_201 : memref<128xi32, #tpu.memory_space<vmem>>) semaphore(%arg10 : memref<!tpu.dma_semaphore, #tpu.memory_space<semaphore_mem>>)
      %mul3A_205 = arith.constant 2 : i32
      %mul3A_206 = arith.muli %add3A_189, %mul3A_205 : i32
      %add3A_207 = arith.constant 1 : i32
      %add3A_208 = arith.addi %mul3A_206, %add3A_207 : i32
      %dma_start3A_209 = arith.constant 3 : i32
      %dma_start3A_210 = arith.constant 128 : i32
      %dma_start3A_211 = arith.constant 0 : i32
      %dma_start3A_212 = tpu.memref_slice %arg6[%dma_start3A_209, %dma_start3A_210, %dma_start3A_211] : memref<4x256x64xf32, #tpu.memory_space<vmem>> -> memref<1x128x64xf32, #tpu.memory_space<vmem>>
      %dma_start3A_213 = tpu.memref_squeeze %dma_start3A_212 : memref<1x128x64xf32, #tpu.memory_space<vmem>> -> memref<128x64xf32, #tpu.memory_space<vmem>>
      %dma_start3A_214 = arith.constant 0 : i32
      %dma_start3A_215 = tpu.memref_slice %arg5[%add3A_208, %dma_start3A_214] : memref<200x128xi32, #tpu.memory_space<vmem>> -> memref<1x128xi32, #tpu.memory_space<vmem>>
      %dma_start3A_216 = tpu.memref_squeeze %dma_start3A_215 : memref<1x128xi32, #tpu.memory_space<vmem>> -> memref<128xi32, #tpu.memory_space<vmem>>
      %dma_start3A_217 = arith.constant 0 : i32
      %dma_start3A_218 = arith.constant 0 : i32
      %dma_start3A_219 = tpu.memref_slice %arg2[%dma_start3A_217, %dma_start3A_218] : memref<1000000x64xf32, #tpu.memory_space<hbm>> -> memref<1000000x64xf32, #tpu.memory_space<hbm>>
      tpu.enqueue_indirect_dma source(%dma_start3A_219 : memref<1000000x64xf32, #tpu.memory_space<hbm>>) target(%dma_start3A_213 : memref<128x64xf32, #tpu.memory_space<vmem>>) offsets(%dma_start3A_216 : memref<128xi32, #tpu.memory_space<vmem>>) semaphore(%arg10 : memref<!tpu.dma_semaphore, #tpu.memory_space<semaphore_mem>>)
      %dma_wait3A_220 = arith.constant 0 : i32
      %dma_wait3A_221 = arith.constant 0 : i32
      %dma_wait3A_222 = arith.constant 0 : i32
      %dma_wait3A_223 = tpu.memref_slice %arg6[%dma_wait3A_220, %dma_wait3A_221, %dma_wait3A_222] : memref<4x256x64xf32, #tpu.memory_space<vmem>> -> memref<1x128x64xf32, #tpu.memory_space<vmem>>
      %dma_wait3A_224 = tpu.memref_squeeze %dma_wait3A_223 : memref<1x128x64xf32, #tpu.memory_space<vmem>> -> memref<128x64xf32, #tpu.memory_space<vmem>>
      %dma_wait3A_225 = arith.constant 0 : i32
      %dma_wait3A_226 = tpu.memref_slice %arg5[%add3A_77, %dma_wait3A_225] : memref<200x128xi32, #tpu.memory_space<vmem>> -> memref<1x128xi32, #tpu.memory_space<vmem>>
      %dma_wait3A_227 = tpu.memref_squeeze %dma_wait3A_226 : memref<1x128xi32, #tpu.memory_space<vmem>> -> memref<128xi32, #tpu.memory_space<vmem>>
      %dma_wait3A_228 = arith.constant 0 : i32
      %dma_wait3A_229 = arith.constant 0 : i32
      %dma_wait3A_230 = tpu.memref_slice %arg2[%dma_wait3A_228, %dma_wait3A_229] : memref<1000000x64xf32, #tpu.memory_space<hbm>> -> memref<1000000x64xf32, #tpu.memory_space<hbm>>
      tpu.wait_indirect_dma semaphore(%arg7 : memref<!tpu.dma_semaphore, #tpu.memory_space<semaphore_mem>>) src(%dma_wait3A_230 : memref<1000000x64xf32, #tpu.memory_space<hbm>>) dst(%dma_wait3A_224 : memref<128x64xf32, #tpu.memory_space<vmem>>)
      %dma_wait3A_231 = arith.constant 0 : i32
      %dma_wait3A_232 = arith.constant 128 : i32
      %dma_wait3A_233 = arith.constant 0 : i32
      %dma_wait3A_234 = tpu.memref_slice %arg6[%dma_wait3A_231, %dma_wait3A_232, %dma_wait3A_233] : memref<4x256x64xf32, #tpu.memory_space<vmem>> -> memref<1x128x64xf32, #tpu.memory_space<vmem>>
      %dma_wait3A_235 = tpu.memref_squeeze %dma_wait3A_234 : memref<1x128x64xf32, #tpu.memory_space<vmem>> -> memref<128x64xf32, #tpu.memory_space<vmem>>
      %dma_wait3A_236 = arith.constant 0 : i32
      %dma_wait3A_237 = tpu.memref_slice %arg5[%add3A_91, %dma_wait3A_236] : memref<200x128xi32, #tpu.memory_space<vmem>> -> memref<1x128xi32, #tpu.memory_space<vmem>>
      %dma_wait3A_238 = tpu.memref_squeeze %dma_wait3A_237 : memref<1x128xi32, #tpu.memory_space<vmem>> -> memref<128xi32, #tpu.memory_space<vmem>>
      %dma_wait3A_239 = arith.constant 0 : i32
      %dma_wait3A_240 = arith.constant 0 : i32
      %dma_wait3A_241 = tpu.memref_slice %arg2[%dma_wait3A_239, %dma_wait3A_240] : memref<1000000x64xf32, #tpu.memory_space<hbm>> -> memref<1000000x64xf32, #tpu.memory_space<hbm>>
      tpu.wait_indirect_dma semaphore(%arg7 : memref<!tpu.dma_semaphore, #tpu.memory_space<semaphore_mem>>) src(%dma_wait3A_241 : memref<1000000x64xf32, #tpu.memory_space<hbm>>) dst(%dma_wait3A_235 : memref<128x64xf32, #tpu.memory_space<vmem>>)
      %mul3A_242 = arith.constant 4 : i32
      %mul3A_243 = arith.muli %scan3A_67, %mul3A_242 : i32
      %add3A_244 = arith.constant 0 : i32
      %add3A_245 = arith.addi %mul3A_243, %add3A_244 : i32
      %mul3A_246 = arith.constant 256 : i32
      %mul3A_247 = arith.muli %add3A_245, %mul3A_246 : i32
      %add3A_248 = arith.addi %mul3A_2, %mul3A_247 : i32
      %dma_start3A_249 = arith.constant 0 : i32
      %dma_start3A_250 = arith.constant 0 : i32
      %dma_start3A_251 = arith.constant 0 : i32
      %dma_start3A_252 = tpu.memref_slice %arg6[%dma_start3A_249, %dma_start3A_250, %dma_start3A_251] : memref<4x256x64xf32, #tpu.memory_space<vmem>> -> memref<1x256x64xf32, #tpu.memory_space<vmem>>
      %dma_start3A_253 = tpu.memref_squeeze %dma_start3A_252 : memref<1x256x64xf32, #tpu.memory_space<vmem>> -> memref<256x64xf32, #tpu.memory_space<vmem>>
      %dma_start3A_254 = arith.constant 0 : i32
      %dma_start3A_255 = tpu.memref_slice %arg4[%add3A_248, %dma_start3A_254] : memref<819200x64xf32, #tpu.memory_space<hbm>> -> memref<256x64xf32, #tpu.memory_space<hbm>>
      %dma_start3A_256 = arith.constant 0 : i32
      %dma_start3A_257 = tpu.memref_slice %arg4[%add3A_248, %dma_start3A_256] : memref<819200x64xf32, #tpu.memory_space<hbm>> -> memref<256x64xf32, #tpu.memory_space<hbm>>
      %dma_start3A_258 = arith.constant 0 : i32
      %dma_start3A_259 = arith.constant 0 : i32
      %dma_start3A_260 = tpu.memref_slice %arg6[%dma_start3A_249, %dma_start3A_258, %dma_start3A_259] : memref<4x256x64xf32, #tpu.memory_space<vmem>> -> memref<1x256x64xf32, #tpu.memory_space<vmem>>
      %dma_start3A_261 = tpu.memref_squeeze %dma_start3A_260 : memref<1x256x64xf32, #tpu.memory_space<vmem>> -> memref<256x64xf32, #tpu.memory_space<vmem>>
      tpu.enqueue_dma source(%dma_start3A_261 : memref<256x64xf32, #tpu.memory_space<vmem>>) target(%dma_start3A_257 : memref<256x64xf32, #tpu.memory_space<hbm>>) target_semaphore(%arg11 : memref<!tpu.dma_semaphore, #tpu.memory_space<semaphore_mem>>)
      %dma_wait3A_262 = arith.constant 1 : i32
      %dma_wait3A_263 = arith.constant 0 : i32
      %dma_wait3A_264 = arith.constant 0 : i32
      %dma_wait3A_265 = tpu.memref_slice %arg6[%dma_wait3A_262, %dma_wait3A_263, %dma_wait3A_264] : memref<4x256x64xf32, #tpu.memory_space<vmem>> -> memref<1x128x64xf32, #tpu.memory_space<vmem>>
      %dma_wait3A_266 = tpu.memref_squeeze %dma_wait3A_265 : memref<1x128x64xf32, #tpu.memory_space<vmem>> -> memref<128x64xf32, #tpu.memory_space<vmem>>
      %dma_wait3A_267 = arith.constant 0 : i32
      %dma_wait3A_268 = tpu.memref_slice %arg5[%add3A_115, %dma_wait3A_267] : memref<200x128xi32, #tpu.memory_space<vmem>> -> memref<1x128xi32, #tpu.memory_space<vmem>>
      %dma_wait3A_269 = tpu.memref_squeeze %dma_wait3A_268 : memref<1x128xi32, #tpu.memory_space<vmem>> -> memref<128xi32, #tpu.memory_space<vmem>>
      %dma_wait3A_270 = arith.constant 0 : i32
      %dma_wait3A_271 = arith.constant 0 : i32
      %dma_wait3A_272 = tpu.memref_slice %arg2[%dma_wait3A_270, %dma_wait3A_271] : memref<1000000x64xf32, #tpu.memory_space<hbm>> -> memref<1000000x64xf32, #tpu.memory_space<hbm>>
      tpu.wait_indirect_dma semaphore(%arg8 : memref<!tpu.dma_semaphore, #tpu.memory_space<semaphore_mem>>) src(%dma_wait3A_272 : memref<1000000x64xf32, #tpu.memory_space<hbm>>) dst(%dma_wait3A_266 : memref<128x64xf32, #tpu.memory_space<vmem>>)
      %dma_wait3A_273 = arith.constant 1 : i32
      %dma_wait3A_274 = arith.constant 128 : i32
      %dma_wait3A_275 = arith.constant 0 : i32
      %dma_wait3A_276 = tpu.memref_slice %arg6[%dma_wait3A_273, %dma_wait3A_274, %dma_wait3A_275] : memref<4x256x64xf32, #tpu.memory_space<vmem>> -> memref<1x128x64xf32, #tpu.memory_space<vmem>>
      %dma_wait3A_277 = tpu.memref_squeeze %dma_wait3A_276 : memref<1x128x64xf32, #tpu.memory_space<vmem>> -> memref<128x64xf32, #tpu.memory_space<vmem>>
      %dma_wait3A_278 = arith.constant 0 : i32
      %dma_wait3A_279 = tpu.memref_slice %arg5[%add3A_130, %dma_wait3A_278] : memref<200x128xi32, #tpu.memory_space<vmem>> -> memref<1x128xi32, #tpu.memory_space<vmem>>
      %dma_wait3A_280 = tpu.memref_squeeze %dma_wait3A_279 : memref<1x128xi32, #tpu.memory_space<vmem>> -> memref<128xi32, #tpu.memory_space<vmem>>
      %dma_wait3A_281 = arith.constant 0 : i32
      %dma_wait3A_282 = arith.constant 0 : i32
      %dma_wait3A_283 = tpu.memref_slice %arg2[%dma_wait3A_281, %dma_wait3A_282] : memref<1000000x64xf32, #tpu.memory_space<hbm>> -> memref<1000000x64xf32, #tpu.memory_space<hbm>>
      tpu.wait_indirect_dma semaphore(%arg8 : memref<!tpu.dma_semaphore, #tpu.memory_space<semaphore_mem>>) src(%dma_wait3A_283 : memref<1000000x64xf32, #tpu.memory_space<hbm>>) dst(%dma_wait3A_277 : memref<128x64xf32, #tpu.memory_space<vmem>>)
      %mul3A_284 = arith.constant 4 : i32
      %mul3A_285 = arith.muli %scan3A_67, %mul3A_284 : i32
      %add3A_286 = arith.constant 1 : i32
      %add3A_287 = arith.addi %mul3A_285, %add3A_286 : i32
      %mul3A_288 = arith.constant 256 : i32
      %mul3A_289 = arith.muli %add3A_287, %mul3A_288 : i32
      %add3A_290 = arith.addi %mul3A_2, %mul3A_289 : i32
      %dma_start3A_291 = arith.constant 1 : i32
      %dma_start3A_292 = arith.constant 0 : i32
      %dma_start3A_293 = arith.constant 0 : i32
      %dma_start3A_294 = tpu.memref_slice %arg6[%dma_start3A_291, %dma_start3A_292, %dma_start3A_293] : memref<4x256x64xf32, #tpu.memory_space<vmem>> -> memref<1x256x64xf32, #tpu.memory_space<vmem>>
      %dma_start3A_295 = tpu.memref_squeeze %dma_start3A_294 : memref<1x256x64xf32, #tpu.memory_space<vmem>> -> memref<256x64xf32, #tpu.memory_space<vmem>>
      %dma_start3A_296 = arith.constant 0 : i32
      %dma_start3A_297 = tpu.memref_slice %arg4[%add3A_290, %dma_start3A_296] : memref<819200x64xf32, #tpu.memory_space<hbm>> -> memref<256x64xf32, #tpu.memory_space<hbm>>
      %dma_start3A_298 = arith.constant 0 : i32
      %dma_start3A_299 = tpu.memref_slice %arg4[%add3A_290, %dma_start3A_298] : memref<819200x64xf32, #tpu.memory_space<hbm>> -> memref<256x64xf32, #tpu.memory_space<hbm>>
      %dma_start3A_300 = arith.constant 0 : i32
      %dma_start3A_301 = arith.constant 0 : i32
      %dma_start3A_302 = tpu.memref_slice %arg6[%dma_start3A_291, %dma_start3A_300, %dma_start3A_301] : memref<4x256x64xf32, #tpu.memory_space<vmem>> -> memref<1x256x64xf32, #tpu.memory_space<vmem>>
      %dma_start3A_303 = tpu.memref_squeeze %dma_start3A_302 : memref<1x256x64xf32, #tpu.memory_space<vmem>> -> memref<256x64xf32, #tpu.memory_space<vmem>>
      tpu.enqueue_dma source(%dma_start3A_303 : memref<256x64xf32, #tpu.memory_space<vmem>>) target(%dma_start3A_299 : memref<256x64xf32, #tpu.memory_space<hbm>>) target_semaphore(%arg12 : memref<!tpu.dma_semaphore, #tpu.memory_space<semaphore_mem>>)
      %dma_wait3A_304 = arith.constant 2 : i32
      %dma_wait3A_305 = arith.constant 0 : i32
      %dma_wait3A_306 = arith.constant 0 : i32
      %dma_wait3A_307 = tpu.memref_slice %arg6[%dma_wait3A_304, %dma_wait3A_305, %dma_wait3A_306] : memref<4x256x64xf32, #tpu.memory_space<vmem>> -> memref<1x128x64xf32, #tpu.memory_space<vmem>>
      %dma_wait3A_308 = tpu.memref_squeeze %dma_wait3A_307 : memref<1x128x64xf32, #tpu.memory_space<vmem>> -> memref<128x64xf32, #tpu.memory_space<vmem>>
      %dma_wait3A_309 = arith.constant 0 : i32
      %dma_wait3A_310 = tpu.memref_slice %arg5[%add3A_154, %dma_wait3A_309] : memref<200x128xi32, #tpu.memory_space<vmem>> -> memref<1x128xi32, #tpu.memory_space<vmem>>
      %dma_wait3A_311 = tpu.memref_squeeze %dma_wait3A_310 : memref<1x128xi32, #tpu.memory_space<vmem>> -> memref<128xi32, #tpu.memory_space<vmem>>
      %dma_wait3A_312 = arith.constant 0 : i32
      %dma_wait3A_313 = arith.constant 0 : i32
      %dma_wait3A_314 = tpu.memref_slice %arg2[%dma_wait3A_312, %dma_wait3A_313] : memref<1000000x64xf32, #tpu.memory_space<hbm>> -> memref<1000000x64xf32, #tpu.memory_space<hbm>>
      tpu.wait_indirect_dma semaphore(%arg9 : memref<!tpu.dma_semaphore, #tpu.memory_space<semaphore_mem>>) src(%dma_wait3A_314 : memref<1000000x64xf32, #tpu.memory_space<hbm>>) dst(%dma_wait3A_308 : memref<128x64xf32, #tpu.memory_space<vmem>>)
      %dma_wait3A_315 = arith.constant 2 : i32
      %dma_wait3A_316 = arith.constant 128 : i32
      %dma_wait3A_317 = arith.constant 0 : i32
      %dma_wait3A_318 = tpu.memref_slice %arg6[%dma_wait3A_315, %dma_wait3A_316, %dma_wait3A_317] : memref<4x256x64xf32, #tpu.memory_space<vmem>> -> memref<1x128x64xf32, #tpu.memory_space<vmem>>
      %dma_wait3A_319 = tpu.memref_squeeze %dma_wait3A_318 : memref<1x128x64xf32, #tpu.memory_space<vmem>> -> memref<128x64xf32, #tpu.memory_space<vmem>>
      %dma_wait3A_320 = arith.constant 0 : i32
      %dma_wait3A_321 = tpu.memref_slice %arg5[%add3A_169, %dma_wait3A_320] : memref<200x128xi32, #tpu.memory_space<vmem>> -> memref<1x128xi32, #tpu.memory_space<vmem>>
      %dma_wait3A_322 = tpu.memref_squeeze %dma_wait3A_321 : memref<1x128xi32, #tpu.memory_space<vmem>> -> memref<128xi32, #tpu.memory_space<vmem>>
      %dma_wait3A_323 = arith.constant 0 : i32
      %dma_wait3A_324 = arith.constant 0 : i32
      %dma_wait3A_325 = tpu.memref_slice %arg2[%dma_wait3A_323, %dma_wait3A_324] : memref<1000000x64xf32, #tpu.memory_space<hbm>> -> memref<1000000x64xf32, #tpu.memory_space<hbm>>
      tpu.wait_indirect_dma semaphore(%arg9 : memref<!tpu.dma_semaphore, #tpu.memory_space<semaphore_mem>>) src(%dma_wait3A_325 : memref<1000000x64xf32, #tpu.memory_space<hbm>>) dst(%dma_wait3A_319 : memref<128x64xf32, #tpu.memory_space<vmem>>)
      %mul3A_326 = arith.constant 4 : i32
      %mul3A_327 = arith.muli %scan3A_67, %mul3A_326 : i32
      %add3A_328 = arith.constant 2 : i32
      %add3A_329 = arith.addi %mul3A_327, %add3A_328 : i32
      %mul3A_330 = arith.constant 256 : i32
      %mul3A_331 = arith.muli %add3A_329, %mul3A_330 : i32
      %add3A_332 = arith.addi %mul3A_2, %mul3A_331 : i32
      %dma_start3A_333 = arith.constant 2 : i32
      %dma_start3A_334 = arith.constant 0 : i32
      %dma_start3A_335 = arith.constant 0 : i32
      %dma_start3A_336 = tpu.memref_slice %arg6[%dma_start3A_333, %dma_start3A_334, %dma_start3A_335] : memref<4x256x64xf32, #tpu.memory_space<vmem>> -> memref<1x256x64xf32, #tpu.memory_space<vmem>>
      %dma_start3A_337 = tpu.memref_squeeze %dma_start3A_336 : memref<1x256x64xf32, #tpu.memory_space<vmem>> -> memref<256x64xf32, #tpu.memory_space<vmem>>
      %dma_start3A_338 = arith.constant 0 : i32
      %dma_start3A_339 = tpu.memref_slice %arg4[%add3A_332, %dma_start3A_338] : memref<819200x64xf32, #tpu.memory_space<hbm>> -> memref<256x64xf32, #tpu.memory_space<hbm>>
      %dma_start3A_340 = arith.constant 0 : i32
      %dma_start3A_341 = tpu.memref_slice %arg4[%add3A_332, %dma_start3A_340] : memref<819200x64xf32, #tpu.memory_space<hbm>> -> memref<256x64xf32, #tpu.memory_space<hbm>>
      %dma_start3A_342 = arith.constant 0 : i32
      %dma_start3A_343 = arith.constant 0 : i32
      %dma_start3A_344 = tpu.memref_slice %arg6[%dma_start3A_333, %dma_start3A_342, %dma_start3A_343] : memref<4x256x64xf32, #tpu.memory_space<vmem>> -> memref<1x256x64xf32, #tpu.memory_space<vmem>>
      %dma_start3A_345 = tpu.memref_squeeze %dma_start3A_344 : memref<1x256x64xf32, #tpu.memory_space<vmem>> -> memref<256x64xf32, #tpu.memory_space<vmem>>
      tpu.enqueue_dma source(%dma_start3A_345 : memref<256x64xf32, #tpu.memory_space<vmem>>) target(%dma_start3A_341 : memref<256x64xf32, #tpu.memory_space<hbm>>) target_semaphore(%arg13 : memref<!tpu.dma_semaphore, #tpu.memory_space<semaphore_mem>>)
      %dma_wait3A_346 = arith.constant 3 : i32
      %dma_wait3A_347 = arith.constant 0 : i32
      %dma_wait3A_348 = arith.constant 0 : i32
      %dma_wait3A_349 = tpu.memref_slice %arg6[%dma_wait3A_346, %dma_wait3A_347, %dma_wait3A_348] : memref<4x256x64xf32, #tpu.memory_space<vmem>> -> memref<1x128x64xf32, #tpu.memory_space<vmem>>
      %dma_wait3A_350 = tpu.memref_squeeze %dma_wait3A_349 : memref<1x128x64xf32, #tpu.memory_space<vmem>> -> memref<128x64xf32, #tpu.memory_space<vmem>>
      %dma_wait3A_351 = arith.constant 0 : i32
      %dma_wait3A_352 = tpu.memref_slice %arg5[%add3A_193, %dma_wait3A_351] : memref<200x128xi32, #tpu.memory_space<vmem>> -> memref<1x128xi32, #tpu.memory_space<vmem>>
      %dma_wait3A_353 = tpu.memref_squeeze %dma_wait3A_352 : memref<1x128xi32, #tpu.memory_space<vmem>> -> memref<128xi32, #tpu.memory_space<vmem>>
      %dma_wait3A_354 = arith.constant 0 : i32
      %dma_wait3A_355 = arith.constant 0 : i32
      %dma_wait3A_356 = tpu.memref_slice %arg2[%dma_wait3A_354, %dma_wait3A_355] : memref<1000000x64xf32, #tpu.memory_space<hbm>> -> memref<1000000x64xf32, #tpu.memory_space<hbm>>
      tpu.wait_indirect_dma semaphore(%arg10 : memref<!tpu.dma_semaphore, #tpu.memory_space<semaphore_mem>>) src(%dma_wait3A_356 : memref<1000000x64xf32, #tpu.memory_space<hbm>>) dst(%dma_wait3A_350 : memref<128x64xf32, #tpu.memory_space<vmem>>)
      %dma_wait3A_357 = arith.constant 3 : i32
      %dma_wait3A_358 = arith.constant 128 : i32
      %dma_wait3A_359 = arith.constant 0 : i32
      %dma_wait3A_360 = tpu.memref_slice %arg6[%dma_wait3A_357, %dma_wait3A_358, %dma_wait3A_359] : memref<4x256x64xf32, #tpu.memory_space<vmem>> -> memref<1x128x64xf32, #tpu.memory_space<vmem>>
      %dma_wait3A_361 = tpu.memref_squeeze %dma_wait3A_360 : memref<1x128x64xf32, #tpu.memory_space<vmem>> -> memref<128x64xf32, #tpu.memory_space<vmem>>
      %dma_wait3A_362 = arith.constant 0 : i32
      %dma_wait3A_363 = tpu.memref_slice %arg5[%add3A_208, %dma_wait3A_362] : memref<200x128xi32, #tpu.memory_space<vmem>> -> memref<1x128xi32, #tpu.memory_space<vmem>>
      %dma_wait3A_364 = tpu.memref_squeeze %dma_wait3A_363 : memref<1x128xi32, #tpu.memory_space<vmem>> -> memref<128xi32, #tpu.memory_space<vmem>>
      %dma_wait3A_365 = arith.constant 0 : i32
      %dma_wait3A_366 = arith.constant 0 : i32
      %dma_wait3A_367 = tpu.memref_slice %arg2[%dma_wait3A_365, %dma_wait3A_366] : memref<1000000x64xf32, #tpu.memory_space<hbm>> -> memref<1000000x64xf32, #tpu.memory_space<hbm>>
      tpu.wait_indirect_dma semaphore(%arg10 : memref<!tpu.dma_semaphore, #tpu.memory_space<semaphore_mem>>) src(%dma_wait3A_367 : memref<1000000x64xf32, #tpu.memory_space<hbm>>) dst(%dma_wait3A_361 : memref<128x64xf32, #tpu.memory_space<vmem>>)
      %mul3A_368 = arith.constant 4 : i32
      %mul3A_369 = arith.muli %scan3A_67, %mul3A_368 : i32
      %add3A_370 = arith.constant 3 : i32
      %add3A_371 = arith.addi %mul3A_369, %add3A_370 : i32
      %mul3A_372 = arith.constant 256 : i32
      %mul3A_373 = arith.muli %add3A_371, %mul3A_372 : i32
      %add3A_374 = arith.addi %mul3A_2, %mul3A_373 : i32
      %dma_start3A_375 = arith.constant 3 : i32
      %dma_start3A_376 = arith.constant 0 : i32
      %dma_start3A_377 = arith.constant 0 : i32
      %dma_start3A_378 = tpu.memref_slice %arg6[%dma_start3A_375, %dma_start3A_376, %dma_start3A_377] : memref<4x256x64xf32, #tpu.memory_space<vmem>> -> memref<1x256x64xf32, #tpu.memory_space<vmem>>
      %dma_start3A_379 = tpu.memref_squeeze %dma_start3A_378 : memref<1x256x64xf32, #tpu.memory_space<vmem>> -> memref<256x64xf32, #tpu.memory_space<vmem>>
      %dma_start3A_380 = arith.constant 0 : i32
      %dma_start3A_381 = tpu.memref_slice %arg4[%add3A_374, %dma_start3A_380] : memref<819200x64xf32, #tpu.memory_space<hbm>> -> memref<256x64xf32, #tpu.memory_space<hbm>>
      %dma_start3A_382 = arith.constant 0 : i32
      %dma_start3A_383 = tpu.memref_slice %arg4[%add3A_374, %dma_start3A_382] : memref<819200x64xf32, #tpu.memory_space<hbm>> -> memref<256x64xf32, #tpu.memory_space<hbm>>
      %dma_start3A_384 = arith.constant 0 : i32
      %dma_start3A_385 = arith.constant 0 : i32
      %dma_start3A_386 = tpu.memref_slice %arg6[%dma_start3A_375, %dma_start3A_384, %dma_start3A_385] : memref<4x256x64xf32, #tpu.memory_space<vmem>> -> memref<1x256x64xf32, #tpu.memory_space<vmem>>
      %dma_start3A_387 = tpu.memref_squeeze %dma_start3A_386 : memref<1x256x64xf32, #tpu.memory_space<vmem>> -> memref<256x64xf32, #tpu.memory_space<vmem>>
      tpu.enqueue_dma source(%dma_start3A_387 : memref<256x64xf32, #tpu.memory_space<vmem>>) target(%dma_start3A_383 : memref<256x64xf32, #tpu.memory_space<hbm>>) target_semaphore(%arg14 : memref<!tpu.dma_semaphore, #tpu.memory_space<semaphore_mem>>)
    }
    %scan3A_7 = arith.constant 25 : i32
    %dma_wait3A = arith.constant 0 : i32
    %dma_wait3A_8 = arith.constant 0 : i32
    %dma_wait3A_9 = arith.constant 0 : i32
    %dma_wait3A_10 = tpu.memref_slice %arg6[%dma_wait3A, %dma_wait3A_8, %dma_wait3A_9] : memref<4x256x64xf32, #tpu.memory_space<vmem>> -> memref<1x256x64xf32, #tpu.memory_space<vmem>>
    %dma_wait3A_11 = tpu.memref_squeeze %dma_wait3A_10 : memref<1x256x64xf32, #tpu.memory_space<vmem>> -> memref<256x64xf32, #tpu.memory_space<vmem>>
    %dma_wait3A_12 = arith.constant 0 : i32
    %dma_wait3A_13 = arith.constant 0 : i32
    %dma_wait3A_14 = tpu.memref_slice %arg4[%dma_wait3A_12, %dma_wait3A_13] : memref<819200x64xf32, #tpu.memory_space<hbm>> -> memref<256x64xf32, #tpu.memory_space<hbm>>
    %dma_wait3A_15 = arith.constant 0 : i32
    %dma_wait3A_16 = arith.constant 0 : i32
    %dma_wait3A_17 = tpu.memref_slice %arg4[%dma_wait3A_15, %dma_wait3A_16] : memref<819200x64xf32, #tpu.memory_space<hbm>> -> memref<256x64xf32, #tpu.memory_space<hbm>>
    %dma_wait3A_18 = arith.constant 0 : i32
    %dma_wait3A_19 = arith.constant 0 : i32
    %dma_wait3A_20 = tpu.memref_slice %arg6[%dma_wait3A, %dma_wait3A_18, %dma_wait3A_19] : memref<4x256x64xf32, #tpu.memory_space<vmem>> -> memref<1x256x64xf32, #tpu.memory_space<vmem>>
    %dma_wait3A_21 = tpu.memref_squeeze %dma_wait3A_20 : memref<1x256x64xf32, #tpu.memory_space<vmem>> -> memref<256x64xf32, #tpu.memory_space<vmem>>
    tpu.wait_dma2 semaphore(%arg11 : memref<!tpu.dma_semaphore, #tpu.memory_space<semaphore_mem>>) src(%dma_wait3A_21 : memref<256x64xf32, #tpu.memory_space<vmem>>) dst(%dma_wait3A_17 : memref<256x64xf32, #tpu.memory_space<hbm>>)
    %dma_wait3A_22 = arith.constant 1 : i32
    %dma_wait3A_23 = arith.constant 0 : i32
    %dma_wait3A_24 = arith.constant 0 : i32
    %dma_wait3A_25 = tpu.memref_slice %arg6[%dma_wait3A_22, %dma_wait3A_23, %dma_wait3A_24] : memref<4x256x64xf32, #tpu.memory_space<vmem>> -> memref<1x256x64xf32, #tpu.memory_space<vmem>>
    %dma_wait3A_26 = tpu.memref_squeeze %dma_wait3A_25 : memref<1x256x64xf32, #tpu.memory_space<vmem>> -> memref<256x64xf32, #tpu.memory_space<vmem>>
    %dma_wait3A_27 = arith.constant 0 : i32
    %dma_wait3A_28 = arith.constant 0 : i32
    %dma_wait3A_29 = tpu.memref_slice %arg4[%dma_wait3A_27, %dma_wait3A_28] : memref<819200x64xf32, #tpu.memory_space<hbm>> -> memref<256x64xf32, #tpu.memory_space<hbm>>
    %dma_wait3A_30 = arith.constant 0 : i32
    %dma_wait3A_31 = arith.constant 0 : i32
    %dma_wait3A_32 = tpu.memref_slice %arg4[%dma_wait3A_30, %dma_wait3A_31] : memref<819200x64xf32, #tpu.memory_space<hbm>> -> memref<256x64xf32, #tpu.memory_space<hbm>>
    %dma_wait3A_33 = arith.constant 0 : i32
    %dma_wait3A_34 = arith.constant 0 : i32
    %dma_wait3A_35 = tpu.memref_slice %arg6[%dma_wait3A_22, %dma_wait3A_33, %dma_wait3A_34] : memref<4x256x64xf32, #tpu.memory_space<vmem>> -> memref<1x256x64xf32, #tpu.memory_space<vmem>>
    %dma_wait3A_36 = tpu.memref_squeeze %dma_wait3A_35 : memref<1x256x64xf32, #tpu.memory_space<vmem>> -> memref<256x64xf32, #tpu.memory_space<vmem>>
    tpu.wait_dma2 semaphore(%arg12 : memref<!tpu.dma_semaphore, #tpu.memory_space<semaphore_mem>>) src(%dma_wait3A_36 : memref<256x64xf32, #tpu.memory_space<vmem>>) dst(%dma_wait3A_32 : memref<256x64xf32, #tpu.memory_space<hbm>>)
    %dma_wait3A_37 = arith.constant 2 : i32
    %dma_wait3A_38 = arith.constant 0 : i32
    %dma_wait3A_39 = arith.constant 0 : i32
    %dma_wait3A_40 = tpu.memref_slice %arg6[%dma_wait3A_37, %dma_wait3A_38, %dma_wait3A_39] : memref<4x256x64xf32, #tpu.memory_space<vmem>> -> memref<1x256x64xf32, #tpu.memory_space<vmem>>
    %dma_wait3A_41 = tpu.memref_squeeze %dma_wait3A_40 : memref<1x256x64xf32, #tpu.memory_space<vmem>> -> memref<256x64xf32, #tpu.memory_space<vmem>>
    %dma_wait3A_42 = arith.constant 0 : i32
    %dma_wait3A_43 = arith.constant 0 : i32
    %dma_wait3A_44 = tpu.memref_slice %arg4[%dma_wait3A_42, %dma_wait3A_43] : memref<819200x64xf32, #tpu.memory_space<hbm>> -> memref<256x64xf32, #tpu.memory_space<hbm>>
    %dma_wait3A_45 = arith.constant 0 : i32
    %dma_wait3A_46 = arith.constant 0 : i32
    %dma_wait3A_47 = tpu.memref_slice %arg4[%dma_wait3A_45, %dma_wait3A_46] : memref<819200x64xf32, #tpu.memory_space<hbm>> -> memref<256x64xf32, #tpu.memory_space<hbm>>
    %dma_wait3A_48 = arith.constant 0 : i32
    %dma_wait3A_49 = arith.constant 0 : i32
    %dma_wait3A_50 = tpu.memref_slice %arg6[%dma_wait3A_37, %dma_wait3A_48, %dma_wait3A_49] : memref<4x256x64xf32, #tpu.memory_space<vmem>> -> memref<1x256x64xf32, #tpu.memory_space<vmem>>
    %dma_wait3A_51 = tpu.memref_squeeze %dma_wait3A_50 : memref<1x256x64xf32, #tpu.memory_space<vmem>> -> memref<256x64xf32, #tpu.memory_space<vmem>>
    tpu.wait_dma2 semaphore(%arg13 : memref<!tpu.dma_semaphore, #tpu.memory_space<semaphore_mem>>) src(%dma_wait3A_51 : memref<256x64xf32, #tpu.memory_space<vmem>>) dst(%dma_wait3A_47 : memref<256x64xf32, #tpu.memory_space<hbm>>)
    %dma_wait3A_52 = arith.constant 3 : i32
    %dma_wait3A_53 = arith.constant 0 : i32
    %dma_wait3A_54 = arith.constant 0 : i32
    %dma_wait3A_55 = tpu.memref_slice %arg6[%dma_wait3A_52, %dma_wait3A_53, %dma_wait3A_54] : memref<4x256x64xf32, #tpu.memory_space<vmem>> -> memref<1x256x64xf32, #tpu.memory_space<vmem>>
    %dma_wait3A_56 = tpu.memref_squeeze %dma_wait3A_55 : memref<1x256x64xf32, #tpu.memory_space<vmem>> -> memref<256x64xf32, #tpu.memory_space<vmem>>
    %dma_wait3A_57 = arith.constant 0 : i32
    %dma_wait3A_58 = arith.constant 0 : i32
    %dma_wait3A_59 = tpu.memref_slice %arg4[%dma_wait3A_57, %dma_wait3A_58] : memref<819200x64xf32, #tpu.memory_space<hbm>> -> memref<256x64xf32, #tpu.memory_space<hbm>>
    %dma_wait3A_60 = arith.constant 0 : i32
    %dma_wait3A_61 = arith.constant 0 : i32
    %dma_wait3A_62 = tpu.memref_slice %arg4[%dma_wait3A_60, %dma_wait3A_61] : memref<819200x64xf32, #tpu.memory_space<hbm>> -> memref<256x64xf32, #tpu.memory_space<hbm>>
    %dma_wait3A_63 = arith.constant 0 : i32
    %dma_wait3A_64 = arith.constant 0 : i32
    %dma_wait3A_65 = tpu.memref_slice %arg6[%dma_wait3A_52, %dma_wait3A_63, %dma_wait3A_64] : memref<4x256x64xf32, #tpu.memory_space<vmem>> -> memref<1x256x64xf32, #tpu.memory_space<vmem>>
    %dma_wait3A_66 = tpu.memref_squeeze %dma_wait3A_65 : memref<1x256x64xf32, #tpu.memory_space<vmem>> -> memref<256x64xf32, #tpu.memory_space<vmem>>
    tpu.wait_dma2 semaphore(%arg14 : memref<!tpu.dma_semaphore, #tpu.memory_space<semaphore_mem>>) src(%dma_wait3A_66 : memref<256x64xf32, #tpu.memory_space<vmem>>) dst(%dma_wait3A_62 : memref<256x64xf32, #tpu.memory_space<hbm>>)
    return
  }
}

</mosaic_0001>

<sc_bundles>
// kernel: kernel.3.cloned.1.call-start
scs
__scs_entry_jumppad:
0x0: {  	(pc) =	sbr.rel $0x88, $3  }
0x1: {  	(tag) =	ssettag $0x0;
	lr =	simm.s32 $0x1  }
0x2: {  	[smem:$0x3F9F] =	sst lr;
	_ =	strace $0xD0000000  }
0x3: {  	_ = 	snop  }
0x4: {  	_ = 	snop  }
0x5: {  	_ = 	snop  }
0x6: {  	_ = 	snop  }
0x7: {  	_ = 	snop  }
__scs_overlays_trampoline_lowered:
0x8: {  	[smem:$0x3FAE] =	sst s0  }
0x9: {  	[smem:$0x3FAF] =	sst s1  }
0xa: {  	[smem:$0x3FB0] =	sst s2  }
0xb: {  	[smem:$0x3FB1] =	sst s3  }
0xc: {  	[smem:$0x3FB2] =	sst s4  }
0xd: {  	[smem:$0x3FB3] =	sst s5  }
0xe: {  	[smem:$0x3FB4] =	sst s6  }
0xf: {  	[smem:$0x3FB5] =	sst s7  }
0x10: {  	[smem:$0x3FB6] =	sst s8  }
0x11: {  	[smem:$0x3FB7] =	sst s9;
	s0 =	simm.s32 @!p0 $0x0  }
0x12: {  	s1 =	sld [smem:$0x3F9D];
	s0 =	simm.s32 @p0 $0x1  }
0x13: {  	[smem:$0x3FB8] =	sst s0;
	s0 =	simm.s32 @!p1 $0x0  }
0x14: {  	s2 =	sld [smem:$0x3F9C];
	s0 =	simm.s32 @p1 $0x1  }
0x15: {  	[smem:$0x3FB9] =	sst s0;
	s0 =	simm.s32 @!p2 $0x0  }
0x16: {  	s3 =	sld [smem:$0x3FDB];
	s0 =	simm.s32 @p2 $0x1  }
0x17: {  	s4 =	simm.s32 $0x1BF5;
	[smem:$0x3FBB] =	sst s0  }
0x18: {  	s0 =	sld [smem:$0x3F9E];
	_ =	swait.ge [sflag:s4], $0x0  }
0x19: {  	s7 =	sld [smem:$0x3F9F]  }
0x1a: {  	s8 =	sadd.s32 $0xFFFFE003, lr  }
0x1b: {  	s9 =	sadd.s32 $0xFFFFFEF7, lr;
	s5 =	simm.s32 $0xFFFFFFFF;
	p2 =	slt.u32 s8, $0xFFFFF086  }
0x1c: {  	p1 =	slt.u32 s9, $0xF7A;
	s5 =	simm.s32 @!p2 $0x0  }
0x1d: {  	s5 =	simm.s32 @p1 $0x1;
	p0 =	seq.s32 s7, s2  }
0x1e: {  	s7 =	smul.u32 @!p0 $0xF7A, s2;
	p2 =	seq.s32 @!p0 s5, $0x0  }
0x1f: {  	s9 =	smul.u32 $0xF7A, s1;
	s8 =	simm.s32 @!p0 $0x1BF5;
	p2 =	por !p2, p0  }
0x20: {  	[sflag:s8] =	ssyncset.s32 @!p0 $0xFFFFF086;
	s6 =	sadd.s32 @!p0 s3, s7;
	s7 =	simm.s32 @!p0 $0x108  }
0x21: {  	s3 =	sadd.s32 s3, s9;
	s6 =	sadd.s32 @!p0 $0x88, s6;
	s7 =	simm.s32 @p2 $0x1082  }
0x22: {  	[simem:s7], [sflag:s8] =	dma.local @!p0 [hbm:s6], $0xF7A  }
0x23: {  	s9 =	sor.u32 $0xD0000000, s2;
	s6 =	simm.s32 $0x108;
	_ =	swait.ge @!p0 [sflag:s8], $0x0  }
0x24: {  	s3 =	sadd.s32 $0x88, s3;
	s6 =	simm.s32 @!p1 $0x1082;
	[sflag:s4] =	ssyncset.s32 $0xFFFFF086  }
0x25: {  	[simem:s6], [sflag:s4] =	dma.local [hbm:s3], $0xF7A  }
0x26: {  	[smem:$0x3F9F] =	sst s1;
	(tag) =	ssettag s2;
	_ =	strace s9  }
0x27: {  	s1 =	sld [smem:$0x3FAF]  }
0x28: {  	s2 =	sld [smem:$0x3FB0]  }
0x29: {  	s4 =	sld [smem:$0x3FB2]  }
0x2a: {  	p0 =	seq.s32 s5, $0x0;
	s5 =	sld [smem:$0x3FB3]  }
0x2b: {  	s6 =	sld [smem:$0x3FB4]  }
0x2c: {  	s7 =	sld [smem:$0x3FB5]  }
0x2d: {  	s3 =	simm.s32 $0x108;
	s8 =	sld [smem:$0x3FB6]  }
0x2e: {  	s3 =	simm.s32 @!p0 $0x1082;
	s9 =	sld [smem:$0x3FB7]  }
0x2f: {  	lr =	sadd.s32 s0, s3;
	s0 =	sld [smem:$0x3FAE]  }
0x30: {  	s3 =	sld [smem:$0x3FB1]  }
0x31: {  	[smem:$0x3FBA] =	sst s10  }
0x32: {  	s10 =	sld [smem:$0x3FB8];
	_ =	sdelay $0x3  }
0x33: {  	p0 =	seq.s32 s10, $0x1;
	s10 =	sld [smem:$0x3FBA];
	_ =	sdelay $0x3  }
0x34: {  	[smem:$0x3FBA] =	sst s10  }
0x35: {  	s10 =	sld [smem:$0x3FB9];
	_ =	sdelay $0x3  }
0x36: {  	p1 =	seq.s32 s10, $0x1;
	s10 =	sld [smem:$0x3FBA];
	_ =	sdelay $0x3  }
0x37: {  	[smem:$0x3FBA] =	sst s10  }
0x38: {  	s10 =	sld [smem:$0x3FBB]  }
0x39: {  	_ = 	snop;
	(pc) =	sbr.ind lr, $3  }
0x3a: {  	_ = 	snop  }
0x3b: {  	_ = 	snop  }
0x3c: {  	p2 =	seq.s32 s10, $0x1;
	s10 =	sld [smem:$0x3FBA]  }
0x3d: {  	_ =	shalt  }
0x3e: {  	_ =	shalt  }
0x3f: {  	_ =	shalt  }
0x40: {  	_ =	shalt  }
0x41: {  	_ =	shalt  }
0x42: {  	_ =	shalt  }
0x43: {  	_ =	shalt  }
0x44: {  	_ =	shalt  }
0x45: {  	_ =	shalt  }
0x46: {  	_ =	shalt  }
0x47: {  	_ =	shalt  }
0x48: {  	_ =	shalt  }
0x49: {  	_ =	shalt  }
0x4a: {  	_ =	shalt  }
0x4b: {  	_ =	shalt  }
0x4c: {  	_ =	shalt  }
0x4d: {  	_ =	shalt  }
0x4e: {  	_ =	shalt  }
0x4f: {  	_ =	shalt  }
0x50: {  	_ =	shalt  }
0x51: {  	_ =	shalt  }
0x52: {  	_ =	shalt  }
0x53: {  	_ =	shalt  }
0x54: {  	_ =	shalt  }
0x55: {  	_ =	shalt  }
0x56: {  	_ =	shalt  }
0x57: {  	_ =	shalt  }
0x58: {  	_ =	shalt  }
0x59: {  	_ =	shalt  }
0x5a: {  	_ =	shalt  }
0x5b: {  	_ =	shalt  }
0x5c: {  	_ =	shalt  }
0x5d: {  	_ =	shalt  }
0x5e: {  	_ =	shalt  }
0x5f: {  	_ =	shalt  }
0x60: {  	_ =	shalt  }
0x61: {  	_ =	shalt  }
0x62: {  	_ =	shalt  }
0x63: {  	_ =	shalt  }
0x64: {  	_ =	shalt  }
0x65: {  	_ =	shalt  }
0x66: {  	_ =	shalt  }
0x67: {  	_ =	shalt  }
0x68: {  	_ =	shalt  }
0x69: {  	_ =	shalt  }
0x6a: {  	_ =	shalt  }
0x6b: {  	_ =	shalt  }
0x6c: {  	_ =	shalt  }
0x6d: {  	_ =	shalt  }
0x6e: {  	_ =	shalt  }
0x6f: {  	_ =	shalt  }
0x70: {  	_ =	shalt  }
0x71: {  	_ =	shalt  }
0x72: {  	_ =	shalt  }
0x73: {  	_ =	shalt  }
0x74: {  	_ =	shalt  }
0x75: {  	_ =	shalt  }
0x76: {  	_ =	shalt  }
0x77: {  	_ =	shalt  }
0x78: {  	_ =	shalt  }
0x79: {  	_ =	shalt  }
0x7a: {  	_ =	shalt  }
0x7b: {  	_ =	shalt  }
0x7c: {  	_ =	shalt  }
0x7d: {  	_ =	shalt  }
0x7e: {  	_ =	shalt  }
0x7f: {  	_ =	shalt  }
0x80: {  	_ =	shalt  }
0x81: {  	_ =	shalt  }
0x82: {  	_ =	shalt  }
0x83: {  	_ =	shalt  }
0x84: {  	_ =	shalt  }
0x85: {  	_ =	shalt  }
0x86: {  	_ =	shalt  }
0x87: {  	_ =	shalt  }
.Lfunc_end0:
.L_simem_size_0:
called_computation.1_lowered:
.L_overlay_start_0:
0x88: {  	s2 =	sld [smem:$0x3FD9]  }
0x89: {  	s3 =	sld [smem:$0x3FFE];
	_ =	sdelay $0x1  }
0x8a: {  	s1 =	srdreg.scid  }
0x8b: {  	s0 =	sand.u32 $0x1, s1  }
0x8c: {  	s17 =	sshll.u32 s0, $0xA;
	s2 =	sadd.s32 s3, s2  }
0x8d: {  	s2 =	sadd.s32 s2, s17  }
0x8e: {  	[smem:$0x3FC6] =	sst s2  }
0x8f: {  	_ = 	snop  }
0x90: {  	s2 =	sld [smem:$0x3FD0];
	(tm) =	ssettm $0x1  }
0x91: {  	s18 =	sld [smem:$0x3FFB];
	_ =	sdelay $0x3  }
0x92: {  	_ =	strace s18  }
0x93: {  	s3 =	sld [smem:$0x3FFC];
	_ =	sdelay $0x3  }
0x94: {  	_ =	strace s3  }
0x95: {  	s3 =	sld [smem:$0x3FFD];
	_ =	sdelay $0x3  }
0x96: {  	_ =	strace s3  }
0x97: {  	_ =	strace $0x8FFFFFFF  }
0x98: {  	s19 =	sld [smem:$0x3FDB];
	_ =	sdelay $0x1  }
0x99: {  	s4 =	simm.s32 $_scs_section_size  }
0x9a: {  	s5 =	simm.s32 $_size__tile_overlayer_lowered;
	s6 =	simm.s32 $_tile_overlayer_lowered  }
0x9b: {  	s22 =	simm.s32 $0x1BFF;
	s21 =	sshll.u32 s6, $0x1;
	s3 =	sadd.s32 s4, s19  }
0x9c: {  	s7 =	simm.s32 $0x0;
	s20 =	sshll.u32 s5, $0x1;
	s5 =	sadd.s32 s21, s3  }
0x9d: {  	[timem:s7], [sflag:s22] =	dma.local [hbm:s5], s20  }
0x9e: {  	_ =	swait.ge [sflag:s22], s20  }
0x9f: {  	s4 =	ssub.s32 $0x0, s20;
	[sflag:s22] =	ssyncset.done $0x0  }
0xa0: {  	[sflag:s22] =	ssyncadd.s32 s4;
	_ =	sdelay $0x1  }
0xa1: {  	s23 =	simm.s32 $0x1B8B  }
0xa2: {  	_ =	swait.ge [sflag:s23], $0x1  }
0xa3: {  	[sflag:s23] =	ssyncset.done $0x0  }
0xa4: {  	s25 =	simm.s32 $0x1B8E;
	s24 =	sld [smem:$0x3FFE];
	[sflag:s23] =	ssyncadd.s32 $0xFFFFFFFF  }
0xa5: {  	s26 =	simm.s32 $execute0_lowered;
	[smem:$0x3FD2] =	sst s25  }
0xa6: {  	s5 =	sshll.u32 s26, $0x1;
	_ =	strace $0x80000046;
	[dreg:$0x1] =	wrdreg $0xFFFFFFFF  }
0xa7: {  	s28 =	simm.s32 $_size_execute0_lowered;
	s3 =	sadd.s32 s3, s5;
	[dreg:$0x0] =	wrdreg $0x0  }
0xa8: {  	s5 =	sshll.u32 s28, $0x1;
	[dreg:$0x2] =	wrdreg s3  }
0xa9: {  	[dreg:$0x3] =	wrdreg s5  }
0xaa: {  	[dreg:$0x4] =	wrdreg $0xC0  }
0xab: {  	_ =	task [dreg:s7], $0x5FFFF  }
0xac: {  	[dreg:$0x1] =	wrdreg $0xFFFFFFFF  }
0xad: {  	[dreg:$0x0] =	wrdreg $0x60  }
0xae: {  	[dreg:$0x2] =	wrdreg s24  }
0xaf: {  	[dreg:$0x3] =	wrdreg s2  }
0xb0: {  	[dreg:$0x4] =	wrdreg $0x9  }
0xb1: {  	_ =	task.clear_ibuf [dreg:s7], $0x5FFFF;
	_ =	strace $0x90000046  }
0xb2: {  	s29 =	simm.s32 $0x9;
	_ =	strace $0x80000048  }
0xb3: {  	_ =	swait.ge [sflag:s29], $0x1  }
0xb4: {  	[sflag:s29] =	ssyncadd.s32 $0xFFFFFFFF  }
0xb5: {  	_ =	strace $0x90000048  }
0xb6: {  	_ =	sfence  }
0xb7: {  	s30 =	sld [smem:$0x0];
	_ =	sdelay $0x2  }
0xb8: {  	s31 =	sshll.u32 s1, $0xD;
	s1 =	sshrl.u32 s1, $0x2  }
0xb9: {  	s3 =	sand.u32 $0x4000, s31;
	s1 =	sadd.s32 s1, s30  }
0xba: {  	s0 =	sor.u32 s3, s0;
	s1 =	sshll.u32 s1, $0x11  }
0xbb: {  	s0 =	sor.u32 s1, s0  }
0xbc: {  	s0 =	sadd.s32 $0x8F2B, s0  }
0xbd: {  	[sflag:s0] =	ssyncadd.remote.s32 $0x1  }
0xbe: {  	_ =	sfence.sel $0xFFFF  }
0xbf: {  	[dreg:$0x0] =	wrdreg $0xFFFFFFFF;
	(pc) =	sbr.abs _section_cstart, $3  }
0xc0: {  	[dreg:$0x1] =	wrdreg $0xFFFFFFFF  }
0xc1: {  	_ =	task.clear_ibuf [dreg:s7], $0x2FFFF;
	_ =	strace $0x9FFFFFFF  }
0xc2: {  	(tm) =	ssettm $0x7FFFFFFF  }
0xc3: {  	_ =	shalt  }
tec
execute0_lowered:
.L_overlay_start_1:
0x0: {  	(tag) =	ssettag $0x1  }
0x1: {  	s1 =	srdreg.scid  }
0x2: {  	s0 =	stileid.u32;
	s5 =	rddreg [dreg:$0x0]  }
0x3: {  	s2 =	rddreg [dreg:$0x1];
	s3 =	simm.s32 $0x0;
	s13 =	simm.s32 $0xC400  }
0x4: {  	s12 =	simm.s32 $0xA400;
	s14 =	simm.s32 $0x14400;
	s15 =	simm.s32 $0x6400  }
0x5: {  	s17 =	simm.s32 $0xE400;
	s16 =	simm.s32 $0x3;
	s18 =	simm.s32 $0x5  }
0x6: {  	s19 =	simm.s32 $0x6;
	s20 =	simm.s32 $0x7;
	s21 =	simm.s32 $0x8  }
0x7: {  	s22 =	simm.s32 $0x0;
	s4 =	sand.u32 $0x1, s1;
	s24 =	sshll.u32 s0, $0x1  }
0x8: {  	[smem:$0x7FF] =	sst s3;
	s9 =	smul.u32 $0x320000, s0;
	s6 =	sor.u32 s4, s24  }
0x9: {  	s8 =	ssub.s32 $0x2, s4;
	_ =	strace $0x80000047;
	[dreg:$0x3] =	wrdreg s13  }
0xa: {  	s11 =	smul.u32 $0x190000, s4;
	s4 =	sadd.s32 $0xF42E00, s5;
	[dreg:$0x4] =	wrdreg s14  }
0xb: {  	s13 =	simm.s32 $0x12400;
	s14 =	simm.s32 $0x1;
	[dreg:$0x5] =	wrdreg s15  }
0xc: {  	s15 =	simm.s32 $0x2;
	[dreg:$0x7] =	wrdreg s17;
	s7 =	smul.u32 $0xC80, s6  }
0xd: {  	s17 =	simm.s32 $0x4;
	s6 =	smul.u32 $0x190000, s6;
	s10 =	sshrl.u32 s8, $0x1  }
0xe: {  	s25 =	ssub.s32 s8, s10;
	s28 =	sadd.s32 s11, s9;
	s10 =	simm.s32 $0x9  }
0xf: {  	s11 =	simm.s32 $0x80;
	s5 =	sadd.s32 s7, s5;
	[dreg:$0x6] =	wrdreg s6  }
0x10: {  	s29 =	smax.u32 s25, $0x1;
	s30 =	sor.u32 $0xC000, s28;
	s9 =	sor.u32 $0x4000, s28  }
0x11: {  	s8 =	sshrl.u32 s28, $0x3;
	s26 =	sadd.s32 $0xA00, s5;
	[dreg:$0x9] =	wrdreg s29  }
0x12: {  	s31 =	sshrl.u32 s30, $0x3;
	s9 =	sshrl.u32 s9, $0x3;
	s7 =	sadd.s32 s8, s2  }
0x13: {  	[dreg:$0x8] =	wrdreg s26;
	s8 =	sadd.s32 s31, s2;
	s9 =	sadd.s32 s9, s2  }
.LBB2_1:
0x14: {  	s0 =	rddreg [dreg:$0x8]  }
0x15: {  	[tilespmem:s3], [sflag:$0x9] =	stream.linear.gather [hbm4b:s0+s3], $0x6400, $0x38;
	[tilespmem:$0x16400] =	vst v63  }
0x16: {  	p0 =	por $0x1, $0x1;
	_ =	swait.ge [sflag:s10], $0x6400  }
0x17: {  	s23 =	simm.s32 @p0 $0x80;
	[sflag:s10] =	ssyncset.done $0x0  }
0x18: {  	s24 =	simm.s32 @p0 $0x0;
	s25 =	simm.s32 @p0 $0x6400;
	[sflag:s10] =	ssyncadd.s32 $0xFFFF9C00  }
0x19: {  	[tilespmem:s25], [sflag:$0x1] =	stream.indirect.gather @p0 [hbm4b:s4+s23], $0x40, s24, s23, $0xb8;
	[tilespmem:$0x16400] =	vst v63  }
0x1a: {  	s24 =	simm.s32 @p0 $0x8400;
	s25 =	simm.s32 @!p0 $0x5  }
0x1b: {  	[tilespmem:s24], [sflag:$0x1] =	stream.indirect.gather @p0 [hbm4b:s4+s23], $0x40, s23, s23, $0xb8;
	[tilespmem:$0x16400] =	vst v63  }
0x1c: {  	_ =	swait.ge @!p0 [sflag:s25], $0x4000  }
0x1d: {  	s23 =	simm.s32 @!p0 $0x6400;
	[sflag:s25] =	ssyncset.done @!p0 $0x0  }
0x1e: {  	s24 =	simm.s32 @!p0 $0x0;
	[sflag:s25] =	ssyncadd.s32 @!p0 $0xFFFFC000;
	s25 =	simm.s32 @!p0 $0x80  }
0x1f: {  	[tilespmem:s23], [sflag:$0x1] =	stream.indirect.gather @!p0 [hbm4b:s4+s25], $0x40, s24, s25, $0xb8;
	[tilespmem:$0x16400] =	vst v63  }
0x20: {  	s26 =	simm.s32 @!p0 $0x6;
	s23 =	simm.s32 @!p0 $0x80;
	s24 =	simm.s32 @!p0 $0x8400  }
0x21: {  	[tilespmem:s24], [sflag:$0x1] =	stream.indirect.gather @!p0 [hbm4b:s4+s25], $0x40, s23, s25, $0xb8;
	[tilespmem:$0x16400] =	vst v63  }
0x22: {  	_ =	swait.ge @!p0 [sflag:s26], $0x4000  }
0x23: {  	[sflag:s26] =	ssyncset.done @!p0 $0x0  }
0x24: {  	s31 =	simm.s32 $0x100;
	[sflag:s26] =	ssyncadd.s32 @!p0 $0xFFFFC000;
	p0 =	por $0x0, $0x0  }
0x25: {  	[tilespmem:s12], [sflag:$0x2] =	stream.indirect.gather [hbm4b:s4+s11], $0x40, s31, s11, $0xb8;
	[tilespmem:$0x16400] =	vst v63  }
0x26: {  	s1 =	simm.s32 $0x180;
	s0 =	rddreg [dreg:$0x3];
	s23 =	simm.s32 @p0 $0x7  }
0x27: {  	[tilespmem:s0], [sflag:$0x2] =	stream.indirect.gather [hbm4b:s4+s11], $0x40, s1, s11, $0xb8;
	[tilespmem:$0x16400] =	vst v63  }
0x28: {  	_ =	swait.ge @p0 [sflag:s23], $0x4000  }
0x29: {  	s24 =	simm.s32 @p0 $0x200;
	[sflag:s23] =	ssyncset.done @p0 $0x0  }
0x2a: {  	s25 =	simm.s32 @p0 $0x80;
	s26 =	simm.s32 @p0 $0xE400;
	[sflag:s23] =	ssyncadd.s32 @p0 $0xFFFFC000  }
0x2b: {  	[tilespmem:s26], [sflag:$0x3] =	stream.indirect.gather @p0 [hbm4b:s4+s25], $0x40, s24, s25, $0xb8;
	[tilespmem:$0x16400] =	vst v63  }
0x2c: {  	s23 =	simm.s32 @p0 $0x280;
	s24 =	simm.s32 @p0 $0x10400;
	s26 =	simm.s32 @p0 $0x8  }
0x2d: {  	[tilespmem:s24], [sflag:$0x3] =	stream.indirect.gather @p0 [hbm4b:s4+s25], $0x40, s23, s25, $0xb8;
	[tilespmem:$0x16400] =	vst v63  }
0x2e: {  	_ =	swait.ge @p0 [sflag:s26], $0x4000  }
0x2f: {  	s23 =	simm.s32 @!p0 $0xE400;
	[sflag:s26] =	ssyncset.done @p0 $0x0  }
0x30: {  	s24 =	simm.s32 @!p0 $0x80;
	s25 =	simm.s32 @!p0 $0x200;
	[sflag:s26] =	ssyncadd.s32 @p0 $0xFFFFC000  }
0x31: {  	[tilespmem:s23], [sflag:$0x3] =	stream.indirect.gather @!p0 [hbm4b:s4+s24], $0x40, s25, s24, $0xb8;
	[tilespmem:$0x16400] =	vst v63  }
0x32: {  	s23 =	simm.s32 @!p0 $0x280;
	s25 =	simm.s32 @!p0 $0x10400  }
0x33: {  	[tilespmem:s25], [sflag:$0x3] =	stream.indirect.gather @!p0 [hbm4b:s4+s24], $0x40, s23, s24, $0xb8;
	[tilespmem:$0x16400] =	vst v63  }
0x34: {  	s5 =	simm.s32 $0x300  }
0x35: {  	[tilespmem:s13], [sflag:$0x4] =	stream.indirect.gather [hbm4b:s4+s11], $0x40, s5, s11, $0xb8;
	[tilespmem:$0x16400] =	vst v63  }
0x36: {  	s6 =	rddreg [dreg:$0x4];
	s25 =	simm.s32 $0x380  }
0x37: {  	[tilespmem:s6], [sflag:$0x4] =	stream.indirect.gather [hbm4b:s4+s11], $0x40, s25, s11, $0xb8;
	[tilespmem:$0x16400] =	vst v63  }
0x38: {  	_ =	swait.ge [sflag:s14], $0x2000  }
0x39: {  	[sflag:s14] =	ssyncset.done $0x0  }
0x3a: {  	[sflag:s14] =	ssyncadd.s32 $0xFFFFE000  }
0x3b: {  	_ =	swait.ge [sflag:s14], $0x2000  }
0x3c: {  	[sflag:s14] =	ssyncset.done $0x0  }
0x3d: {  	s26 =	rddreg [dreg:$0x5];
	[sflag:s14] =	ssyncadd.s32 $0xFFFFE000  }
0x3e: {  	[hbm4b:s7+s3] =	stream.linear.scatter [tilespmem:s26], [sflag:$0x5], $0x4000, $0x38;
	[tilespmem:$0x16400] =	vst v63  }
0x3f: {  	_ =	swait.ge [sflag:s15], $0x2000  }
0x40: {  	[sflag:s15] =	ssyncset.done $0x0  }
0x41: {  	[sflag:s15] =	ssyncadd.s32 $0xFFFFE000  }
0x42: {  	_ =	swait.ge [sflag:s15], $0x2000  }
0x43: {  	[sflag:s15] =	ssyncset.done $0x0  }
0x44: {  	[sflag:s15] =	ssyncadd.s32 $0xFFFFE000  }
0x45: {  	[hbm4b:s9+s3] =	stream.linear.scatter [tilespmem:s12], [sflag:$0x6], $0x4000, $0x38;
	[tilespmem:$0x16400] =	vst v63  }
0x46: {  	_ =	swait.ge [sflag:s16], $0x2000  }
0x47: {  	[sflag:s16] =	ssyncset.done $0x0  }
0x48: {  	[sflag:s16] =	ssyncadd.s32 $0xFFFFE000  }
0x49: {  	s24 =	simm.s32 $0x8000;
	_ =	swait.ge [sflag:s16], $0x2000  }
0x4a: {  	s24 =	simm.s32 @!p0 $0x8000;
	s30 =	rddreg [dreg:$0x6]  }
0x4b: {  	s23 =	sadd.s32 s30, s24  }
0x4c: {  	[sflag:s16] =	ssyncset.done $0x0;
	s23 =	sshrl.u32 s23, $0x3  }
0x4d: {  	s31 =	rddreg [dreg:$0x7];
	[sflag:s16] =	ssyncadd.s32 $0xFFFFE000;
	s23 =	sadd.s32 s2, s23  }
0x4e: {  	[hbm4b:s23+s3] =	stream.linear.scatter [tilespmem:s31], [sflag:$0x7], $0x4000, $0x38;
	[tilespmem:$0x16400] =	vst v63  }
0x4f: {  	_ =	swait.ge [sflag:s17], $0x2000  }
0x50: {  	[sflag:s17] =	ssyncset.done $0x0  }
0x51: {  	s28 =	sadd.s32 $0x2000, s8;
	s29 =	smov.u32 s8;
	[sflag:s17] =	ssyncadd.s32 $0xFFFFE000  }
0x52: {  	s25 =	sadd.s32 $0x2000, s9;
	s26 =	sadd.s32 $0x2000, s7;
	_ =	swait.ge [sflag:s17], $0x2000  }
0x53: {  	s24 =	simm.s32 $0x18000;
	s23 =	simm.s32 $0x1000;
	[sflag:s17] =	ssyncset.done $0x0  }
.LBB2_2:
0x54: {  	p1 =	seq.s32 s23, $0x0;
	[sflag:s17] =	ssyncadd.s32 $0xFFFFE000  }
0x55: {  	[hbm4b:s29+s3] =	stream.linear.scatter [tilespmem:s13], [sflag:$0x8], $0x4000, $0x38;
	[tilespmem:$0x16400] =	vst v63  }
0x56: {  	s29 =	simm.s32 @p1 $0x80;
	s31 =	simm.s32 @p1 $0x0;
	s1 =	simm.s32 @p1 $0x6400  }
0x57: {  	[tilespmem:s1], [sflag:$0x1] =	stream.indirect.gather @p1 [hbm4b:s4+s29], $0x40, s31, s29, $0xb8;
	[tilespmem:$0x16400] =	vst v63  }
0x58: {  	s1 =	simm.s32 @p1 $0x8400;
	s31 =	simm.s32 @!p1 $0x5  }
0x59: {  	[tilespmem:s1], [sflag:$0x1] =	stream.indirect.gather @p1 [hbm4b:s4+s29], $0x40, s29, s29, $0xb8;
	[tilespmem:$0x16400] =	vst v63  }
0x5a: {  	_ =	swait.ge @!p1 [sflag:s31], $0x4000  }
0x5b: {  	s30 =	smov.u32 s23;
	s0 =	simm.s32 @!p1 $0x80;
	[sflag:s31] =	ssyncset.done @!p1 $0x0  }
0x5c: {  	s1 =	simm.s32 @!p1 $0x6400;
	[sflag:s31] =	ssyncadd.s32 @!p1 $0xFFFFC000;
	s31 =	sshra.s32 @!p1 s30, $0x2  }
0x5d: {  	[tilespmem:s1], [sflag:$0x1] =	stream.indirect.gather @!p1 [hbm4b:s4+s0], $0x40, s31, s0, $0xb8;
	[tilespmem:$0x16400] =	vst v63  }
0x5e: {  	s5 =	simm.s32 @!p1 $0x6;
	s1 =	sadd.s32 @!p1 $0x80, s31;
	s31 =	simm.s32 @!p1 $0x8400  }
0x5f: {  	[tilespmem:s31], [sflag:$0x1] =	stream.indirect.gather @!p1 [hbm4b:s4+s0], $0x40, s1, s0, $0xb8;
	[tilespmem:$0x16400] =	vst v63  }
0x60: {  	_ =	swait.ge @!p1 [sflag:s5], $0x4000  }
0x61: {  	s0 =	sshra.s32 s30, $0x2;
	[sflag:s5] =	ssyncset.done @!p1 $0x0  }
0x62: {  	[sflag:s5] =	ssyncadd.s32 @!p1 $0xFFFFC000;
	s5 =	sadd.s32 $0x100, s0;
	p1 =	sne.s32 s30, $0x0  }
0x63: {  	[tilespmem:s12], [sflag:$0x2] =	stream.indirect.gather [hbm4b:s4+s11], $0x40, s5, s11, $0xb8;
	[tilespmem:$0x16400] =	vst v63  }
0x64: {  	s31 =	sadd.s32 $0x180, s0;
	s6 =	rddreg [dreg:$0x3];
	s1 =	simm.s32 @p1 $0x7  }
0x65: {  	[tilespmem:s6], [sflag:$0x2] =	stream.indirect.gather [hbm4b:s4+s11], $0x40, s31, s11, $0xb8;
	[tilespmem:$0x16400] =	vst v63  }
0x66: {  	s5 =	sshra.s32 @p1 s30, $0x2;
	_ =	swait.ge @p1 [sflag:s1], $0x4000  }
0x67: {  	s30 =	sadd.s32 @p1 $0x200, s5;
	[sflag:s1] =	ssyncset.done @p1 $0x0  }
0x68: {  	s31 =	simm.s32 @p1 $0x80;
	s6 =	simm.s32 @p1 $0xE400;
	[sflag:s1] =	ssyncadd.s32 @p1 $0xFFFFC000  }
0x69: {  	[tilespmem:s6], [sflag:$0x3] =	stream.indirect.gather @p1 [hbm4b:s4+s31], $0x40, s30, s31, $0xb8;
	[tilespmem:$0x16400] =	vst v63  }
0x6a: {  	s5 =	sadd.s32 @p1 $0x280, s5;
	s1 =	simm.s32 @p1 $0x10400;
	s6 =	simm.s32 @p1 $0x8  }
0x6b: {  	[tilespmem:s1], [sflag:$0x3] =	stream.indirect.gather @p1 [hbm4b:s4+s31], $0x40, s5, s31, $0xb8;
	[tilespmem:$0x16400] =	vst v63  }
0x6c: {  	_ =	swait.ge @p1 [sflag:s6], $0x4000  }
0x6d: {  	s30 =	simm.s32 @!p1 $0x200;
	[sflag:s6] =	ssyncset.done @p1 $0x0  }
0x6e: {  	s1 =	simm.s32 @!p1 $0xE400;
	s5 =	simm.s32 @!p1 $0x80;
	[sflag:s6] =	ssyncadd.s32 @p1 $0xFFFFC000  }
0x6f: {  	[tilespmem:s1], [sflag:$0x3] =	stream.indirect.gather @!p1 [hbm4b:s4+s5], $0x40, s30, s5, $0xb8;
	[tilespmem:$0x16400] =	vst v63  }
0x70: {  	s31 =	simm.s32 @!p1 $0x10400;
	s6 =	simm.s32 @!p1 $0x280  }
0x71: {  	[tilespmem:s31], [sflag:$0x3] =	stream.indirect.gather @!p1 [hbm4b:s4+s5], $0x40, s6, s5, $0xb8;
	[tilespmem:$0x16400] =	vst v63  }
0x72: {  	s1 =	sadd.s32 $0x300, s0  }
0x73: {  	[tilespmem:s13], [sflag:$0x4] =	stream.indirect.gather [hbm4b:s4+s11], $0x40, s1, s11, $0xb8;
	[tilespmem:$0x16400] =	vst v63  }
0x74: {  	s30 =	rddreg [dreg:$0x4];
	s0 =	sadd.s32 $0x380, s0  }
0x75: {  	[tilespmem:s30], [sflag:$0x4] =	stream.indirect.gather [hbm4b:s4+s11], $0x40, s0, s11, $0xb8;
	[tilespmem:$0x16400] =	vst v63  }
0x76: {  	_ =	swait.ge [sflag:s14], $0x2000  }
0x77: {  	[sflag:s14] =	ssyncset.done $0x0  }
0x78: {  	[sflag:s14] =	ssyncadd.s32 $0xFFFFE000  }
0x79: {  	_ =	swait.ge [sflag:s14], $0x2000  }
0x7a: {  	[sflag:s14] =	ssyncset.done $0x0  }
0x7b: {  	s6 =	rddreg [dreg:$0x5];
	[sflag:s14] =	ssyncadd.s32 $0xFFFFE000  }
0x7c: {  	[hbm4b:s26+s3] =	stream.linear.scatter [tilespmem:s6], [sflag:$0x5], $0x4000, $0x38;
	[tilespmem:$0x16400] =	vst v63  }
0x7d: {  	_ =	swait.ge [sflag:s15], $0x2000  }
0x7e: {  	[sflag:s15] =	ssyncset.done $0x0  }
0x7f: {  	[sflag:s15] =	ssyncadd.s32 $0xFFFFE000  }
0x80: {  	_ =	swait.ge [sflag:s15], $0x2000  }
0x81: {  	[sflag:s15] =	ssyncset.done $0x0  }
0x82: {  	[sflag:s15] =	ssyncadd.s32 $0xFFFFE000  }
0x83: {  	[hbm4b:s25+s3] =	stream.linear.scatter [tilespmem:s12], [sflag:$0x6], $0x4000, $0x38;
	[tilespmem:$0x16400] =	vst v63  }
0x84: {  	_ =	swait.ge [sflag:s16], $0x2000  }
0x85: {  	[sflag:s16] =	ssyncset.done $0x0  }
0x86: {  	[sflag:s16] =	ssyncadd.s32 $0xFFFFE000  }
0x87: {  	s1 =	smov.u32 s24;
	_ =	swait.ge [sflag:s16], $0x2000  }
0x88: {  	s1 =	simm.s32 @!p1 $0x8000;
	s30 =	rddreg [dreg:$0x6]  }
0x89: {  	s23 =	sadd.s32 $0x1000, s23;
	s0 =	sadd.s32 s30, s1  }
0x8a: {  	p0 =	sne.s32 s23, $0x19000;
	[sflag:s16] =	ssyncset.done $0x0;
	s0 =	sshrl.u32 s0, $0x3  }
0x8b: {  	s31 =	rddreg [dreg:$0x7];
	[sflag:s16] =	ssyncadd.s32 $0xFFFFE000;
	s0 =	sadd.s32 s2, s0  }
0x8c: {  	[hbm4b:s0+s3] =	stream.linear.scatter [tilespmem:s31], [sflag:$0x7], $0x4000, $0x38;
	[tilespmem:$0x16400] =	vst v63  }
.Ltmp0:
0x8d: {  	_ =	swait.ge [sflag:s17], $0x2000;
	(pc) =	sbr.rel @p0 .LBB2_2-.Ltmp0, $4  }
0x8e: {  	[sflag:s17] =	ssyncset.done $0x0  }
0x8f: {  	s29 =	smov.u32 s28;
	[sflag:s17] =	ssyncadd.s32 $0xFFFFE000  }
0x90: {  	s28 =	sadd.s32 $0x2000, s28;
	s24 =	sadd.s32 $0x10000, s24;
	_ =	swait.ge [sflag:s17], $0x2000  }
0x91: {  	s26 =	sadd.s32 $0x2000, s26;
	s25 =	sadd.s32 $0x2000, s25;
	[sflag:s17] =	ssyncset.done $0x0  }
0x92: {  	[sflag:s17] =	ssyncadd.s32 $0xFFFFE000  }
0x93: {  	[hbm4b:s29+s3] =	stream.linear.scatter [tilespmem:s13], [sflag:$0x8], $0x4000, $0x38;
	[tilespmem:$0x16400] =	vst v63  }
0x94: {  	_ =	swait.ge [sflag:s18], $0x4000  }
0x95: {  	[sflag:s18] =	ssyncset.done $0x0  }
0x96: {  	[sflag:s18] =	ssyncadd.s32 $0xFFFFC000  }
0x97: {  	_ =	swait.ge [sflag:s19], $0x4000  }
0x98: {  	[sflag:s19] =	ssyncset.done $0x0  }
0x99: {  	[sflag:s19] =	ssyncadd.s32 $0xFFFFC000  }
0x9a: {  	_ =	swait.ge [sflag:s20], $0x4000  }
0x9b: {  	[sflag:s20] =	ssyncset.done $0x0  }
0x9c: {  	[sflag:s20] =	ssyncadd.s32 $0xFFFFC000  }
0x9d: {  	_ =	swait.ge [sflag:s21], $0x4000  }
0x9e: {  	s22 =	sadd.s32 $0x1, s22;
	s0 =	rddreg [dreg:$0x9]  }
0x9f: {  	p0 =	sne.s32 s22, s0  }
.Ltmp1:
0xa0: {  	_ = 	snop;
	(pc) =	sbr.rel @p0 .LBB2_1-.Ltmp1, $3  }
0xa1: {  	_ =	sdelay $0x1  }
0xa2: {  	[sflag:s21] =	ssyncset.done $0x0  }
0xa3: {  	[sflag:s21] =	ssyncadd.s32 $0xFFFFC000  }
0xa4: {  	_ =	sfence.sel $0x180000  }
0xa5: {  	[bflag:$0x0] =	sbarrier.arrive $0xFFFF  }
0xa6: {  	_ =	strace $0x90000047  }
0xa7: {  	s0 =	stileid.u32;
	[bflag:$0x2] =	sbarrier.arrive $0xFFFF  }
0xa8: {  	p0 =	sne.s32 s0, $0x0;
	s0 =	rddreg [dreg:$0x2]  }
0xa9: {  	s0 =	sadd.s32 @!p0 $0x100000, s0  }
0xaa: {  	[sflag:s0] =	ssyncadd.tile.s32 @!p0 $0x1;
	_ =	shalt  }
.Lfunc_end2:
_tile_overlayer_lowered:
.L_overlay_start_2:
0xab: {  	(tag) =	ssettag $0x2  }
0xac: {  	s0 =	rddreg [dreg:$0x0];
	s2 =	stileid.u32  }
0xad: {  	s1 =	rddreg [dreg:$0x1];
	p0 =	sne.s32 s2, $0x0  }
0xae: {  	s3 =	rddreg [dreg:$0x2];
	[bflag:$0x3] =	sbarrier.arrive $0xFFFF;
	s2 =	simm.s32 @!p0 $0x1C09  }
0xaf: {  	[timem:s3], [sflag:s2] =	dma.local @!p0 [hbm:s0], s1  }
0xb0: {  	s0 =	simm.s32 @!p0 $0x9  }
0xb1: {  	_ =	swait.ge @!p0 [sflag:s0], s1  }
0xb2: {  	s1 =	ssub.s32 @!p0 $0x0, s1;
	[sflag:s0] =	ssyncset.done @!p0 $0x0  }
0xb3: {  	[sflag:s0] =	ssyncadd.s32 @!p0 s1  }
0xb4: {  	[bflag:$0x3] =	sbarrier.arrive $0xFFFF  }
0xb5: {  	_ =	shalt  }

// kernel: sparse-core-data-format-call.cloned.1.call-start
scs
called_computation_lowered:
.L_overlay_start_0:
0x0: {  	s2 =	sld [smem:$0x3FD9]  }
0x1: {  	s3 =	sld [smem:$0x3FFE];
	_ =	sdelay $0x1  }
0x2: {  	s1 =	srdreg.scid  }
0x3: {  	s0 =	sand.u32 $0x1, s1  }
0x4: {  	s18 =	sshll.u32 s0, $0xA;
	s2 =	sadd.s32 s3, s2  }
0x5: {  	s2 =	sadd.s32 s2, s18  }
0x6: {  	[smem:$0x3FC6] =	sst s2  }
0x7: {  	_ = 	snop  }
0x8: {  	s2 =	sld [smem:$0x3FD0];
	(tm) =	ssettm $0x1  }
0x9: {  	s19 =	sld [smem:$0x3FFB];
	_ =	sdelay $0x3  }
0xa: {  	_ =	strace s19  }
0xb: {  	s3 =	sld [smem:$0x3FFC];
	_ =	sdelay $0x3  }
0xc: {  	_ =	strace s3  }
0xd: {  	s3 =	sld [smem:$0x3FFD];
	_ =	sdelay $0x3  }
0xe: {  	_ =	strace s3  }
0xf: {  	_ =	strace $0x8FFFFFFF  }
0x10: {  	s20 =	sld [smem:$0x3FDB];
	_ =	sdelay $0x1  }
0x11: {  	s4 =	simm.s32 $_scs_section_size  }
0x12: {  	s5 =	simm.s32 $_size__tile_overlayer_lowered;
	s6 =	simm.s32 $_tile_overlayer_lowered  }
0x13: {  	s23 =	simm.s32 $0x1BFF;
	s22 =	sshll.u32 s6, $0x1;
	s3 =	sadd.s32 s4, s20  }
0x14: {  	s7 =	simm.s32 $0x0;
	s21 =	sshll.u32 s5, $0x1;
	s5 =	sadd.s32 s22, s3  }
0x15: {  	[timem:s7], [sflag:s23] =	dma.local [hbm:s5], s21  }
0x16: {  	_ =	swait.ge [sflag:s23], s21  }
0x17: {  	s4 =	ssub.s32 $0x0, s21;
	[sflag:s23] =	ssyncset.done $0x0  }
0x18: {  	[sflag:s23] =	ssyncadd.s32 s4;
	_ =	sdelay $0x1  }
0x19: {  	s24 =	simm.s32 $0x1B8B  }
0x1a: {  	_ =	swait.ge [sflag:s24], $0x1  }
0x1b: {  	[sflag:s24] =	ssyncset.done $0x0  }
0x1c: {  	s26 =	simm.s32 $0x1B8E;
	s25 =	sld [smem:$0x3FFE];
	[sflag:s24] =	ssyncadd.s32 $0xFFFFFFFF  }
0x1d: {  	s27 =	simm.s32 $execute0_lowered;
	[smem:$0x3FD2] =	sst s26  }
0x1e: {  	s5 =	sshll.u32 s27, $0x1;
	_ =	strace $0x80000049;
	[dreg:$0x1] =	wrdreg $0xFFFFFFFF  }
0x1f: {  	s28 =	simm.s32 $_size_execute0_lowered;
	s3 =	sadd.s32 s3, s5;
	[dreg:$0x0] =	wrdreg $0x0  }
0x20: {  	s5 =	sshll.u32 s28, $0x1;
	[dreg:$0x2] =	wrdreg s3  }
0x21: {  	[dreg:$0x3] =	wrdreg s5  }
0x22: {  	[dreg:$0x4] =	wrdreg $0xC0  }
0x23: {  	_ =	task [dreg:s7], $0x5FFFF  }
0x24: {  	[dreg:$0x1] =	wrdreg $0xFFFFFFFF  }
0x25: {  	[dreg:$0x0] =	wrdreg $0x60  }
0x26: {  	[dreg:$0x2] =	wrdreg s25  }
0x27: {  	[dreg:$0x3] =	wrdreg s2  }
0x28: {  	[dreg:$0x4] =	wrdreg $0x9  }
0x29: {  	_ =	task.clear_ibuf [dreg:s7], $0x5FFFF;
	_ =	strace $0x90000049  }
0x2a: {  	s29 =	simm.s32 $0x9;
	_ =	strace $0x8000004B  }
0x2b: {  	_ =	swait.ge [sflag:s29], $0x1  }
0x2c: {  	[sflag:s29] =	ssyncadd.s32 $0xFFFFFFFF  }
0x2d: {  	_ =	strace $0x9000004B  }
0x2e: {  	_ =	sfence  }
0x2f: {  	s30 =	sld [smem:$0x0];
	_ =	sdelay $0x2  }
0x30: {  	s31 =	sshll.u32 s1, $0xD;
	s1 =	sshrl.u32 s1, $0x2  }
0x31: {  	s3 =	sand.u32 $0x4000, s31;
	s1 =	sadd.s32 s1, s30  }
0x32: {  	s0 =	sor.u32 s3, s0;
	s1 =	sshll.u32 s1, $0x11  }
0x33: {  	s0 =	sor.u32 s1, s0  }
0x34: {  	s0 =	sadd.s32 $0x8F2B, s0  }
0x35: {  	[sflag:s0] =	ssyncadd.remote.s32 $0x1  }
0x36: {  	_ =	sfence.sel $0xFFFF  }
0x37: {  	[dreg:$0x0] =	wrdreg $0xFFFFFFFF;
	(pc) =	sbr.abs _section_cstart, $3  }
0x38: {  	[dreg:$0x1] =	wrdreg $0xFFFFFFFF  }
0x39: {  	_ =	task.clear_ibuf [dreg:s7], $0x2FFFF;
	_ =	strace $0x9FFFFFFF  }
0x3a: {  	(tm) =	ssettm $0x7FFFFFFF  }
0x3b: {  	_ =	shalt  }
tec
execute0_lowered:
.L_overlay_start_1:
0x0: {  	(tag) =	ssettag $0x1  }
0x1: {  	s0 =	srdreg.scid  }
0x2: {  	s1 =	sshll.u32 s0, $0x4  }
0x3: {  	s0 =	stileid.u32;
	s1 =	sand.u32 $0x10, s1  }
0x4: {  	s1 =	sor.u32 s0, s1  }
0x5: {  	s6 =	rddreg [dreg:$0x0];
	s4 =	simm.s32 $0x1;
	s2 =	sshll.u32 s1, $0x7  }
0x6: {  	s7 =	simm.s32 $0x2;
	s12 =	simm.s32 $0x0;
	s1 =	ssub.s32 $0x4000, s2  }
0x7: {  	s8 =	simm.s32 $0x20000;
	s13 =	simm.s32 $0x0;
	s3 =	sand.u32 $0xF80, s1  }
0x8: {  	s9 =	simm.s32 $0x0;
	s5 =	sshrl.u32 s1, $0xC;
	p0 =	sne.s32 s3, $0x0  }
.Ltmp0:
0x9: {  	s1 =	rddreg [dreg:$0x2];
	s4 =	simm.s32 @!p0 $0x0;
	(pc) =	sbr.rel .LBB1_1-.Ltmp0, $4  }
0xa: {  	s11 =	simm.s32 $0x0;
	s3 =	rddreg [dreg:$0x1];
	s5 =	sadd.s32 s4, s5  }
0xb: {  	_ =	strace $0x8000004A;
	s4 =	simm.s32 $0x1;
	s5 =	smul.u32 $0x32, s5  }
0xc: {  	s6 =	sadd.s32 $0xA00, s6;
	s10 =	smov.u32 s2;
	[sflag:s4] =	ssyncpa.u1 $0x0  }
0xd: {  	p0 =	por $0x0, $0x0;
	[sflag:s7] =	ssyncpa.u1 $0x0;
	s7 =	sor.u32 $0x1, s5  }
.LBB1_4:
0xe: {  	s16 =	sshll.u32 s13, $0x3;
	s17 =	sand.u32 $0x78, s13  }
0xf: {  	s30 =	sand.u32 $0x1F800, s13;
	s12 =	sshll.u32 s12, $0x11;
	s16 =	sand.u32 $0x3C00, s16  }
0x10: {  	[tilespmem:s15+$0x810 ss:$0x81] =	vst.msk $0xffff, v2;
	s31 =	sand.u32 $0x7, s13;
	s16 =	sor.u32 s17, s16;
	s17 =	sadd.s32 s3, s30  }
0x11: {  	[tilespmem:s15+$0x1020 ss:$0x81] =	vst.msk $0xffff, v0;
	s13 =	sshll.u32 s31, $0x12;
	s12 =	sadd.s32 s12, s17;
	s16 =	sshrl.u32 s16, $0x3  }
0x12: {  	[tilespmem:s15+$0x0 ss:$0x81] =	vst.msk $0xffff, v1;
	s13 =	sor.u32 $0x400, s13;
	s12 =	sadd.s32 s16, s12  }
0x13: {  	[hbm4b:s12+s13] =	stream.strided.scatter [tilespmem:s14], [sflag:$0x2], $0x2000, s8, s13, $0x20;
	[tilespmem:$0x8080] =	vst v63  }
.LBB1_5:
0x14: {  	s14 =	sadd.s32 $0x1, s9  }
0x15: {  	s12 =	sadd.s32 $0x1000, s10;
	s16 =	smov.u32 s10;
	p2 =	sgt.s32 s14, $0x31  }
0x16: {  	s16 =	smov.u32 @p2 s12  }
0x17: {  	s14 =	simm.s32 @p2 $0x0;
	p2 =	sgt.s32 s16, $0x3FFF  }
0x18: {  	s16 =	smov.u32 @p2 s2;
	p2 =	sne.s32 s11, s7  }
.Ltmp1:
0x19: {  	p1 =	slt.u32 s11, $0x2;
	(pc) =	sbr.rel @!p2 .LBB1_6-.Ltmp1, $4  }
0x1a: {  	s15 =	simm.s32 @!p1 $0x2  }
0x1b: {  	s13 =	smov.u32 s10;
	p0 =	por !p0, !p0;
	_ =	swait.ge @!p1 [sflag:s15], $0x2000  }
0x1c: {  	s12 =	smov.u32 s9;
	[sflag:s15] =	ssyncset.done @!p1 $0x0;
	s9 =	smov.u32 s14  }
0x1d: {  	s11 =	sadd.s32 $0x1, s11;
	[sflag:s15] =	ssyncadd.s32 @!p1 $0xFFFFE000;
	s10 =	smov.u32 s16  }
.LBB1_1:
0x1e: {  	p1 =	sge.u32 s11, s5  }
0x1f: {  	s14 =	sand.u32 @!p1 $0x1FFFFFF, s9  }
0x20: {  	s15 =	smulhi.u32 @!p1 $0x4924925, s14;
	_ =	sdelay $0x1  }
0x21: {  	s15 =	smul.u32 @!p1 $0x38, s15  }
0x22: {  	s16 =	sxor.u32 @!p1 $0xFFFFFFFF, s11;
	s17 =	smul.u32 @!p1 $0x380, s10  }
0x23: {  	s31 =	sadd.s32 $0xFFFFFFFF, s11;
	s16 =	sshll.u32 @!p1 s16, $0xD;
	s14 =	ssub.s32 @!p1 s14, s15  }
0x24: {  	s15 =	sand.u32 @!p1 $0x2000, s16;
	s16 =	sadd.s32 @!p1 s6, s17;
	s14 =	sshll.u32 @!p1 s14, $0x4  }
0x25: {  	s17 =	simm.s32 @!p1 $0x1C00;
	s14 =	sadd.s32 @!p1 s14, s16;
	s16 =	simm.s32 @!p1 $0x40  }
0x26: {  	[tilespmem:s15], [sflag:$0x1] =	stream.strided.gather @!p1 [hbm4b:s14+s16], $0x2000, s17, s16, $0x38;
	[tilespmem:$0x8080] =	vst v63  }
0x27: {  	p1 =	sge.u32 s31, s5  }
.Ltmp2:
0x28: {  	_ = 	snop;
	(pc) =	sbr.rel @p1 .LBB1_5-.Ltmp2, $1  }
0x29: {  	_ =	sdelay $0x3  }
0x2a: {  	s14 =	simm.s32 $0x1  }
0x2b: {  	_ =	swait.ge [sflag:s4], $0x2000;
	s14 =	simm.s32 @!p0 $0x0  }
0x2c: {  	[sflag:s4] =	ssyncset.done $0x0;
	s15 =	sshll.u32 s14, $0xD  }
0x2d: {  	[sflag:s4] =	ssyncadd.s32 $0xFFFFE000;
	s18 =	sor.u32 $0x20, s15  }
0x2e: {  	s14 =	smul.u32 $0x8100, s14;
	v3 =	vld [tilespmem:s18+$0x10]  }
0x2f: {  	s30 =	sand.u32 $0x1, s11;
	v2 =	vld [tilespmem:s18+$0xFFFFFFF0]  }
0x30: {  	s15 =	smul.u32 $0x8100, s30;
	s14 =	sshrl.u32 s14, $0x2;
	v0 =	vld [tilespmem:s18+$0x0]  }
0x31: {  	v1 =	vld [tilespmem:s18+$0xFFFFFFE0];
	s16 =	sor.u32 $0x4000, s14  }
0x32: {  	s31 =	sshrl.u32 s15, $0x2;
	s15 =	sadd.s32 $0x0, s16  }
0x33: {  	s17 =	simm.s32 $0x4;
	s18 =	sadd.s32 $0x40, s18;
	s14 =	sor.u32 $0x4000, s31;
	[tilespmem:s15+$0x1830 ss:$0x81] =	vst.msk $0xffff, v3  }
.LBB1_3:
0x34: {  	v3 =	vld [tilespmem:s18+$0x10];
	p1 =	sne.s32 s17, $0x1FC;
	[tilespmem:s15+$0x810 ss:$0x81] =	vst.msk $0xffff, v2;
	s19 =	smov.u32 s17;
	s17 =	sadd.s32 $0x4, s17  }
.Ltmp3:
0x35: {  	v2 =	vld [tilespmem:s18+$0xFFFFFFF0];
	[tilespmem:s15+$0x1020 ss:$0x81] =	vst.msk $0xffff, v0;
	(pc) =	sbr.rel @p1 .LBB1_3-.Ltmp3, $4  }
0x36: {  	v0 =	vld [tilespmem:s18+$0x0];
	[tilespmem:s15+$0x0 ss:$0x81] =	vst.msk $0xffff, v1  }
0x37: {  	s15 =	sshra.s32 s19, $0x2;
	v1 =	vld [tilespmem:s18+$0xFFFFFFE0]  }
0x38: {  	s15 =	sadd.s32 s15, s16  }
0x39: {  	s18 =	sadd.s32 $0x40, s18;
	[tilespmem:s15+$0x1830 ss:$0x81] =	vst.msk $0xffff, v3  }
.Ltmp4:
0x3a: {  	_ = 	snop;
	(pc) =	sbr.rel .LBB1_4-.Ltmp4, $1  }
0x3b: {  	_ =	sdelay $0x3  }
.LBB1_6:
0x3c: {  	_ =	sfence.sel $0x180000  }
0x3d: {  	s2 =	simm.s32 $0x1;
	[bflag:$0x0] =	sbarrier.arrive $0xFFFF  }
0x3e: {  	s31 =	simm.s32 $0x2;
	[sflag:s2] =	ssyncpa.u1 $0x1  }
0x3f: {  	[sflag:s31] =	ssyncpa.u1 $0x1  }
0x40: {  	p0 =	sne.s32 s0, $0x0;
	_ =	strace $0x9000004A  }
0x41: {  	s0 =	sadd.s32 @!p0 $0x100000, s1;
	[bflag:$0x2] =	sbarrier.arrive $0xFFFF  }
0x42: {  	[sflag:s0] =	ssyncadd.tile.s32 @!p0 $0x1;
	_ =	shalt  }
.Lfunc_end1:
_tile_overlayer_lowered:
.L_overlay_start_2:
0x43: {  	(tag) =	ssettag $0x2  }
0x44: {  	s0 =	rddreg [dreg:$0x0];
	s2 =	stileid.u32  }
0x45: {  	s1 =	rddreg [dreg:$0x1];
	p0 =	sne.s32 s2, $0x0  }
0x46: {  	s3 =	rddreg [dreg:$0x2];
	[bflag:$0x3] =	sbarrier.arrive $0xFFFF;
	s2 =	simm.s32 @!p0 $0x1C01  }
0x47: {  	[timem:s3], [sflag:s2] =	dma.local @!p0 [hbm:s0], s1  }
0x48: {  	s0 =	simm.s32 @!p0 $0x1  }
0x49: {  	_ =	swait.ge @!p0 [sflag:s0], s1  }
0x4a: {  	s1 =	ssub.s32 @!p0 $0x0, s1;
	[sflag:s0] =	ssyncset.done @!p0 $0x0  }
0x4b: {  	[sflag:s0] =	ssyncadd.s32 @!p0 s1  }
0x4c: {  	[bflag:$0x3] =	sbarrier.arrive $0xFFFF  }
0x4d: {  	_ =	shalt  }

</sc_bundles>
